<compile_context>
chip_gen: v7x
topology: tpu7x:2x2x1
jax: 0.10.2.dev20260603
libtpu: 0.0.44.dev20260713+nightly
codegen_flags: <defaults>
</compile_context>

<pallas_src>
import functools

import jax
import jax.numpy as jnp
from jax import lax
from jax.experimental import pallas as pl
from jax.experimental.pallas import tpu as pltpu
from jax.experimental.pallas import tpu_sc as plsc

N = 10000
E = 160000
DV = 256
DE = 16
DU = 32
H = 256
VOUT = 256
EOUT = 128
UOUT = 32

CHUNK = 128
NW = 32
N_PAD = 10240
ROWS_PER_TILE = N_PAD // 16

NCHUNKS = E // CHUNK
GITER = (NCHUNKS + 15) // 16
SITER = (NCHUNKS + NW - 1) // NW
NCH_PAD = SITER * NW
TLOAD = N // 1000

_mesh = plsc.VectorSubcoreMesh(core_axis_name="c", subcore_axis_name="s")


def _ln(h, g, b):
    mu = jnp.mean(h, axis=-1, keepdims=True)
    d = h - mu
    var = jnp.mean(d * d, axis=-1, keepdims=True)
    return d * jax.lax.rsqrt(var + 1e-5) * g + b


def _pack_bf16(block):
    b = jax.lax.bitcast_convert_type(block, jnp.uint32)
    r = lambda v: (v + 0x7FFF + ((v >> 16) & 1)) >> 16
    return r(b[:, :H // 2]) | (r(b[:, H // 2:]) << 16)


def _unpack_bf16(packed):
    left = jax.lax.bitcast_convert_type(packed << 16, jnp.float32)
    right = jax.lax.bitcast_convert_type(packed & jnp.uint32(0xFFFF0000),
                                         jnp.float32)
    return left, right


def _pre_body(x_ref, w_ref, u_ref, wu2_ref, b2_ref, xr_ref, xc_ref, xn_ref,
              c1_ref, c2_ref):
    prod = jnp.dot(x_ref[...].astype(jnp.bfloat16), w_ref[...],
                   preferred_element_type=jnp.float32)
    xr_ref[...] = _pack_bf16(prod[:, :H])
    xc_ref[...] = _pack_bf16(prod[:, H:2 * H])
    xn_ref[...] = prod[:, 2 * H:]

    @pl.when(pl.program_id(0) == 0)
    def _():
        cu = jnp.dot(u_ref[...], wu2_ref[...],
                     preferred_element_type=jnp.float32) + b2_ref[...]
        c1_ref[...] = cu[:, :H]
        c2_ref[...] = cu[:, H:]


def _precompute(x, wrcx, u, wu2, b2):
    bn = 1000
    return pl.pallas_call(
        _pre_body,
        grid=(N // bn,),
        in_specs=[
            pl.BlockSpec((bn, DV), lambda i: (i, 0)),
            pl.BlockSpec((DV, 3 * H), lambda i: (0, 0)),
            pl.BlockSpec((1, DU), lambda i: (0, 0)),
            pl.BlockSpec((DU, 2 * H), lambda i: (0, 0)),
            pl.BlockSpec((1, 2 * H), lambda i: (0, 0)),
        ],
        out_specs=[
            pl.BlockSpec((bn, H // 2), lambda i: (i, 0)),
            pl.BlockSpec((bn, H // 2), lambda i: (i, 0)),
            pl.BlockSpec((bn, H), lambda i: (i, 0)),
            pl.BlockSpec((1, H), lambda i: (0, 0)),
            pl.BlockSpec((1, H), lambda i: (0, 0)),
        ],
        out_shape=[jax.ShapeDtypeStruct((N, H // 2), jnp.uint32),
                   jax.ShapeDtypeStruct((N, H // 2), jnp.uint32),
                   jax.ShapeDtypeStruct((N, H), jnp.float32),
                   jax.ShapeDtypeStruct((1, H), jnp.float32),
                   jax.ShapeDtypeStruct((1, H), jnp.float32)],
    )(x, wrcx, u, wu2, b2)


def _gather_body(xr_hbm, xc_hbm, row_hbm, col_hbm, gr_hbm, gc_hbm,
                 idxr_all, idxc_all, bufr_a, bufc_a, bufr_b, bufc_b,
                 sem_a, sem_b):
    wid = lax.axis_index("s") * 2 + lax.axis_index("c")
    base = wid * SITER

    pltpu.sync_copy(row_hbm.at[pl.ds(base, SITER)], idxr_all)
    pltpu.sync_copy(col_hbm.at[pl.ds(base, SITER)], idxc_all)

    def fire(j, br, bc, sem):
        pltpu.async_copy(xr_hbm.at[idxr_all.at[j]], br, sem)
        pltpu.async_copy(xc_hbm.at[idxc_all.at[j]], bc, sem)

    def drain(br, bc, sem):
        pltpu.make_async_copy(xr_hbm.at[idxr_all.at[0]], br, sem).wait()
        pltpu.make_async_copy(xc_hbm.at[idxc_all.at[0]], bc, sem).wait()

    def wb(j, br, bc):
        c = jnp.minimum(base + j, NCHUNKS - 1)
        pltpu.sync_copy(br, gr_hbm.at[pl.ds(c * CHUNK, CHUNK)])
        pltpu.sync_copy(bc, gc_hbm.at[pl.ds(c * CHUNK, CHUNK)])

    fire(0, bufr_a, bufc_a, sem_a)
    fire(1, bufr_b, bufc_b, sem_b)

    def step(p, _):
        ja = 2 * p
        drain(bufr_a, bufc_a, sem_a)
        wb(ja, bufr_a, bufc_a)

        @pl.when(ja + 2 < SITER)
        def _():
            fire(ja + 2, bufr_a, bufc_a, sem_a)
        drain(bufr_b, bufc_b, sem_b)
        wb(ja + 1, bufr_b, bufc_b)

        @pl.when(ja + 3 < SITER)
        def _():
            fire(ja + 3, bufr_b, bufc_b, sem_b)
        return 0

    lax.fori_loop(0, SITER // 2, step, 0)


@functools.partial(
    pl.kernel,
    out_type=[jax.ShapeDtypeStruct((E, H // 2), jnp.uint32),
              jax.ShapeDtypeStruct((E, H // 2), jnp.uint32)],
    mesh=_mesh,
    scratch_types=[
        pltpu.VMEM((SITER, CHUNK), jnp.int32),
        pltpu.VMEM((SITER, CHUNK), jnp.int32),
        pltpu.VMEM((CHUNK, H // 2), jnp.uint32),
        pltpu.VMEM((CHUNK, H // 2), jnp.uint32),
        pltpu.VMEM((CHUNK, H // 2), jnp.uint32),
        pltpu.VMEM((CHUNK, H // 2), jnp.uint32),
        pltpu.SemaphoreType.DMA,
        pltpu.SemaphoreType.DMA,
    ],
)
def _gather(*args):
    _gather_body(*args)


def _edge_body(gr_ref, gc_ref, ea_ref, wa_ref, c1_ref,
               ew2_ref, eb2_ref, eg_ref, ebt_ref, ne_ref, esum_ref):
    i = pl.program_id(0)
    rl, rr = _unpack_bf16(gr_ref[...])
    cl, cr = _unpack_bf16(gc_ref[...])
    h = jnp.concatenate([rl + cl, rr + cr], axis=1) + c1_ref[...]
    h = h + jnp.dot(ea_ref[...].astype(jnp.bfloat16), wa_ref[...],
                    preferred_element_type=jnp.float32)
    h = jnp.maximum(h, 0.0)
    h = jnp.dot(h.astype(jnp.bfloat16), ew2_ref[...],
                preferred_element_type=jnp.float32) + eb2_ref[...]
    h = jnp.maximum(h, 0.0)
    ne = _ln(h, eg_ref[...], ebt_ref[...])
    ne_ref[...] = ne

    @pl.when(i == 0)
    def _():
        esum_ref[...] = jnp.zeros_like(esum_ref)
    esum_ref[...] += jnp.sum(ne, axis=0, keepdims=True)


def _edge_mlp(gr, gc, ea, wa, c1, ew2, eb2, eg, ebt):
    be = 4000
    return pl.pallas_call(
        _edge_body,
        grid=(E // be,),
        in_specs=[
            pl.BlockSpec((be, H // 2), lambda i: (i, 0)),
            pl.BlockSpec((be, H // 2), lambda i: (i, 0)),
            pl.BlockSpec((be, DE), lambda i: (i, 0)),
            pl.BlockSpec((DE, H), lambda i: (0, 0)),
            pl.BlockSpec((1, H), lambda i: (0, 0)),
            pl.BlockSpec((H, EOUT), lambda i: (0, 0)),
            pl.BlockSpec((1, EOUT), lambda i: (0, 0)),
            pl.BlockSpec((1, EOUT), lambda i: (0, 0)),
            pl.BlockSpec((1, EOUT), lambda i: (0, 0)),
        ],
        out_specs=[
            pl.BlockSpec((be, EOUT), lambda i: (i, 0)),
            pl.BlockSpec((1, EOUT), lambda i: (0, 0)),
        ],
        out_shape=[jax.ShapeDtypeStruct((E, EOUT), jnp.float32),
                   jax.ShapeDtypeStruct((1, EOUT), jnp.float32)],
    )(gr, gc, ea, wa, c1, ew2, eb2, eg, ebt)


def _scatter_body(ne_hbm, row_hbm, agg_hbm, acc, idx_all,
                  buf_a, buf_b, sem_a, sem_b):
    cid = lax.axis_index("c")
    sid = lax.axis_index("s")
    wid = sid * 2 + cid
    npass = ROWS_PER_TILE // CHUNK

    zeros16 = jnp.zeros((16,), jnp.float32)

    def zstep(r, _):
        for j in range(EOUT // 16):
            buf_a[r, pl.ds(j * 16, 16)] = zeros16
        return 0

    lax.fori_loop(0, CHUNK, zstep, 0)
    for p in range(npass):
        pltpu.sync_copy(
            buf_a, acc.at[pl.ds(sid * ROWS_PER_TILE + p * CHUNK, CHUNK)])
    plsc.subcore_barrier()

    base = wid * SITER
    pltpu.sync_copy(row_hbm.at[pl.ds(base, SITER)], idx_all)

    def load(j, buf, sem):
        c_data = jnp.minimum(base + j, NCHUNKS - 1)
        pltpu.async_copy(ne_hbm.at[pl.ds(c_data * CHUNK, CHUNK)], buf, sem)

    load(0, buf_a, sem_a)
    load(1, buf_b, sem_b)

    def step(p, _):
        ja = 2 * p
        pltpu.make_async_copy(ne_hbm.at[pl.ds(0, CHUNK)], buf_a, sem_a).wait()
        pltpu.sync_copy(buf_a, acc.at[idx_all.at[ja]], add=True)

        @pl.when(ja + 2 < SITER)
        def _():
            load(ja + 2, buf_a, sem_a)
        pltpu.make_async_copy(ne_hbm.at[pl.ds(0, CHUNK)], buf_b, sem_b).wait()
        pltpu.sync_copy(buf_b, acc.at[idx_all.at[ja + 1]], add=True)

        @pl.when(ja + 3 < SITER)
        def _():
            load(ja + 3, buf_b, sem_b)
        return 0

    lax.fori_loop(0, SITER // 2, step, 0)
    plsc.subcore_barrier()
    for p in range(npass):
        base = sid * ROWS_PER_TILE + p * CHUNK
        pltpu.sync_copy(acc.at[pl.ds(base, CHUNK)], buf_a)
        pltpu.sync_copy(buf_a, agg_hbm.at[cid, pl.ds(base, CHUNK)])


@functools.partial(
    pl.kernel,
    out_type=jax.ShapeDtypeStruct((2, N_PAD, EOUT), jnp.float32),
    mesh=_mesh,
    scratch_types=[
        pltpu.VMEM_SHARED((N_PAD, EOUT), jnp.float32),
        pltpu.VMEM((SITER, CHUNK), jnp.int32),
        pltpu.VMEM((CHUNK, EOUT), jnp.float32),
        pltpu.VMEM((CHUNK, EOUT), jnp.float32),
        pltpu.SemaphoreType.DMA,
        pltpu.SemaphoreType.DMA,
    ],
)
def _scatter(*args):
    _scatter_body(*args)


def _node_body(xn_ref, a0_ref, a1_ref, wna_ref, c2_ref,
               nw2_ref, nb2_ref, ng_ref, nbt_ref, nx_ref, xsum_ref):
    i = pl.program_id(0)
    agg = (a0_ref[...] + a1_ref[...]).astype(jnp.bfloat16)
    h = xn_ref[...] + jnp.dot(agg, wna_ref[...],
                              preferred_element_type=jnp.float32) + c2_ref[...]
    h = jnp.maximum(h, 0.0)
    h = jnp.dot(h.astype(jnp.bfloat16), nw2_ref[...],
                preferred_element_type=jnp.float32) + nb2_ref[...]
    h = jnp.maximum(h, 0.0)
    nx = _ln(h, ng_ref[...], nbt_ref[...])
    nx_ref[...] = nx

    @pl.when(i == 0)
    def _():
        xsum_ref[...] = jnp.zeros_like(xsum_ref)
    xsum_ref[...] += jnp.sum(nx, axis=0, keepdims=True)


def _node_mlp(xn, a0, a1, wna, c2, nw2, nb2, ng, nbt):
    bn = 1000
    return pl.pallas_call(
        _node_body,
        grid=(N // bn,),
        in_specs=[
            pl.BlockSpec((bn, H), lambda i: (i, 0)),
            pl.BlockSpec((bn, EOUT), lambda i: (i, 0)),
            pl.BlockSpec((bn, EOUT), lambda i: (i, 0)),
            pl.BlockSpec((EOUT, H), lambda i: (0, 0)),
            pl.BlockSpec((1, H), lambda i: (0, 0)),
            pl.BlockSpec((H, VOUT), lambda i: (0, 0)),
            pl.BlockSpec((1, VOUT), lambda i: (0, 0)),
            pl.BlockSpec((1, VOUT), lambda i: (0, 0)),
            pl.BlockSpec((1, VOUT), lambda i: (0, 0)),
        ],
        out_specs=[
            pl.BlockSpec((bn, VOUT), lambda i: (i, 0)),
            pl.BlockSpec((1, VOUT), lambda i: (0, 0)),
        ],
        out_shape=[jax.ShapeDtypeStruct((N, VOUT), jnp.float32),
                   jax.ShapeDtypeStruct((1, VOUT), jnp.float32)],
    )(xn, a0, a1, wna, c2, nw2, nb2, ng, nbt)


def _global_body(u_ref, xsum_ref, esum_ref, gu_ref, gx_ref, ge_ref, gb1_ref,
                 gw2_ref, gb2_ref, gg_ref, gbt_ref, nu_ref):
    h = jnp.dot(u_ref[...], gu_ref[...], preferred_element_type=jnp.float32)
    h = h + jnp.dot(xsum_ref[...] * (1.0 / N), gx_ref[...],
                    preferred_element_type=jnp.float32)
    h = h + jnp.dot(esum_ref[...] * (1.0 / E), ge_ref[...],
                    preferred_element_type=jnp.float32)
    h = jnp.maximum(h + gb1_ref[...], 0.0)
    h = jnp.dot(h, gw2_ref[...], preferred_element_type=jnp.float32) + gb2_ref[...]
    h = jnp.maximum(h, 0.0)
    nu_ref[...] = _ln(h, gg_ref[...], gbt_ref[...])


def _global_mlp(u, xsum, esum, gu, gx, ge, gb1, gw2, gb2, gg, gbt):
    return pl.pallas_call(
        _global_body,
        out_shape=jax.ShapeDtypeStruct((1, UOUT), jnp.float32),
    )(u, xsum, esum, gu, gx, ge, gb1, gw2, gb2, gg, gbt)


def kernel(x, edge_index, edge_attr, u, v_indices, e_indices,
           ew1, eb1, ew2, eb2, eg, ebt,
           nw1, nb1, nw2, nb2, ng, nbt,
           gw1, gb1, gw2, gb2, gg, gbt):
    row = edge_index[0]
    col = edge_index[1]
    nrep = NCH_PAD - NCHUNKS
    gpad = lambda v: jnp.concatenate(
        [v, jnp.tile(v[-CHUNK:], nrep)]).reshape(NCH_PAD, CHUNK)
    row2d = gpad(row)
    col2d = gpad(col)
    pad = jnp.full((nrep * CHUNK,), N, jnp.int32)
    rowpad2d = jnp.concatenate([row, pad]).reshape(NCH_PAD, CHUNK)

    bf = jnp.bfloat16
    wrcx = jnp.concatenate([ew1[:DV], ew1[DV:2 * DV], nw1[:DV]], axis=1).astype(bf)
    wu2 = jnp.concatenate([ew1[2 * DV + DE:], nw1[DV + EOUT:]], axis=1)
    b2 = jnp.concatenate([eb1, nb1]).reshape(1, -1)
    wna = nw1[DV:DV + EOUT].astype(bf)
    gu_w = gw1[:DU]
    gx_w = gw1[DU:DU + VOUT]
    ge_w = gw1[DU + VOUT:]
    wa = ew1[2 * DV:2 * DV + DE].astype(bf)

    r2 = lambda v: v.reshape(1, -1)

    xr, xc, xn, c1, c2 = _precompute(x, wrcx, u, wu2, b2)

    gr, gc = _gather(xr, xc, row2d, col2d)
    new_e, esum = _edge_mlp(gr, gc, edge_attr, wa, c1,
                            ew2.astype(bf), r2(eb2), r2(eg), r2(ebt))
    aggp = _scatter(new_e, rowpad2d)
    new_x, xsum = _node_mlp(xn, aggp[0], aggp[1], wna, c2,
                            nw2.astype(bf), r2(nb2), r2(ng), r2(nbt))
    new_u = _global_mlp(u, xsum, esum, gu_w, gx_w, ge_w, r2(gb1),
                        gw2, r2(gb2), r2(gg), r2(gbt))
    return (new_x, new_e, new_u)

# --- scband reference (transcript-rebuilt; emitter-appended) ---
"""Pipeline reference for scband-graph-net-55980603736529 (READ-ONLY COPY).

The authoritative reference and input builder live on the scoring server;
editing this copy changes nothing except your own understanding.
"""

import jax, jax.numpy as jnp
import numpy as np

N, E, DV, DE, DU = 10000, 160000, 256, 16, 32
H, VOUT, EOUT, UOUT = 256, 256, 128, 32

def _ln(h, g, b):
    mu = jnp.mean(h, axis=-1, keepdims=True)
    var = jnp.mean((h - mu) ** 2, axis=-1, keepdims=True)
    return (h - mu) / jnp.sqrt(var + 1e-5) * g + b

def _mlp(h, w1, b1, w2, b2, g, bt):
    h = jax.nn.relu(h @ w1 + b1)
    h = jax.nn.relu(h @ w2 + b2)
    return _ln(h, g, bt)

def _smean(data, idx, size):
    s = jax.ops.segment_sum(data, idx, num_segments=size)
    c = jax.ops.segment_sum(jnp.ones((data.shape[0], 1), data.dtype), idx, num_segments=size)
    return s / jnp.maximum(c, 1.0)

def setup_inputs(seed: int = 0):
    key = jax.random.key(seed)
    ks = jax.random.split(key, 16)
    p = lambda k, s: jax.random.normal(k, s, jnp.float32) * 0.05
    inp = {}
    inp['x'] = jax.random.normal(ks[0], (N, DV), jnp.float32)
    inp['edge_index'] = jax.random.randint(ks[1], (2, E), 0, N, dtype=jnp.int32)
    inp['edge_attr'] = jax.random.normal(ks[2], (E, DE), jnp.float32)
    inp['u'] = jax.random.normal(ks[3], (1, DU), jnp.float32)
    inp['v_indices'] = jnp.zeros((N,), jnp.int32)
    inp['e_indices'] = jnp.zeros((E,), jnp.int32)
    inp['ew1'] = p(ks[4], (DE + 2 * DV + DU, H)); inp['eb1'] = jnp.zeros((H,), jnp.float32)
    inp['ew2'] = p(ks[5], (H, EOUT)); inp['eb2'] = jnp.zeros((EOUT,), jnp.float32)
    inp['eg'] = jnp.ones((EOUT,), jnp.float32); inp['ebt'] = jnp.zeros((EOUT,), jnp.float32)
    inp['nw1'] = p(ks[6], (DV + EOUT + DU, H)); inp['nb1'] = jnp.zeros((H,), jnp.float32)
    inp['nw2'] = p(ks[7], (H, VOUT)); inp['nb2'] = jnp.zeros((VOUT,), jnp.float32)
    inp['ng'] = jnp.ones((VOUT,), jnp.float32); inp['nbt'] = jnp.zeros((VOUT,), jnp.float32)
    inp['gw1'] = p(ks[8], (DU + VOUT + EOUT, H)); inp['gb1'] = jnp.zeros((H,), jnp.float32)
    inp['gw2'] = p(ks[9], (H, UOUT)); inp['gb2'] = jnp.zeros((UOUT,), jnp.float32)
    inp['gg'] = jnp.ones((UOUT,), jnp.float32); inp['gbt'] = jnp.zeros((UOUT,), jnp.float32)
    return inp

def reference(x, edge_index, edge_attr, u, v_indices, e_indices, ew1, eb1, ew2, eb2, eg, ebt, nw1, nb1, nw2, nb2, ng, nbt, gw1, gb1, gw2, gb2, gg, gbt):
    row, col = edge_index[0], edge_index[1]
    e_feat = jnp.concatenate([x[row], x[col], edge_attr, u[e_indices]], axis=1)
    new_e = _mlp(e_feat, ew1, eb1, ew2, eb2, eg, ebt)
    agg = jax.ops.segment_sum(new_e, row, num_segments=x.shape[0])
    n_feat = jnp.concatenate([x, agg, u[v_indices]], axis=1)
    new_x = _mlp(n_feat, nw1, nb1, nw2, nb2, ng, nbt)
    g_feat = jnp.concatenate([u, _smean(new_x, v_indices, u.shape[0]), _smean(new_e, e_indices, u.shape[0])], axis=1)
    new_u = _mlp(g_feat, gw1, gb1, gw2, gb2, gg, gbt)
    return (new_x, new_e, new_u)

if __name__ == "__main__":
    import jax
    _d = setup_inputs()
    print(jax.jit(kernel)(*tuple(_d.values())))

</pallas_src>

<mosaic_0001>
#map = affine_map<(d0, d1) -> (0, 0)>
module attributes {stable_mosaic.version = 14 : i64} {
  func.func @_gather(%arg0: i32, %arg1: i32, %arg2: memref<10000x128xi32, #tpu.memory_space<hbm>>, %arg3: memref<10000x128xi32, #tpu.memory_space<hbm>>, %arg4: memref<1280x128xi32, #tpu.memory_space<hbm>>, %arg5: memref<1280x128xi32, #tpu.memory_space<hbm>>, %arg6: memref<160000x128xi32, #tpu.memory_space<hbm>>, %arg7: memref<160000x128xi32, #tpu.memory_space<hbm>>, %arg8: memref<40x128xi32, #tpu.memory_space<vmem>>, %arg9: memref<40x128xi32, #tpu.memory_space<vmem>>, %arg10: memref<128x128xi32, #tpu.memory_space<vmem>>, %arg11: memref<128x128xi32, #tpu.memory_space<vmem>>, %arg12: memref<128x128xi32, #tpu.memory_space<vmem>>, %arg13: memref<128x128xi32, #tpu.memory_space<vmem>>, %arg14: memref<!tpu.dma_semaphore, #tpu.memory_space<semaphore_mem>>, %arg15: memref<!tpu.dma_semaphore, #tpu.memory_space<semaphore_mem>>) attributes {dimension_semantics = [#tpu.dimension_semantics<core_parallel>, #tpu.dimension_semantics<subcore_parallel>], iteration_bounds = array<i64: 2, 16>, scalar_prefetch = 0 : i64, scratch_operands = 8 : i64, tpu.core_type = #tpu.core_type<sc_vector_subcore>, window_params = [{transform_indices = #map}, {transform_indices = #map}, {transform_indices = #map}, {transform_indices = #map}, {transform_indices = #map}, {transform_indices = #map}]} {
    %mul3A = arith.constant 2 : i32
    %mul3A_0 = arith.muli %arg1, %mul3A : i32
    %add3A = arith.addi %mul3A_0, %arg0 : i32
    %mul3A_1 = arith.constant 40 : i32
    %mul3A_2 = arith.muli %add3A, %mul3A_1 : i32
    "tpu.region"() ({
      %run_scoped3A = tpu.sem_alloc : memref<!tpu.dma_semaphore, #tpu.memory_space<semaphore_mem>>
      %dma_start3A_36 = arith.constant 0 : i32
      %dma_start3A_37 = tpu.memref_slice %arg4[%mul3A_2, %dma_start3A_36] : memref<1280x128xi32, #tpu.memory_space<hbm>> -> memref<40x128xi32, #tpu.memory_space<hbm>>
      %dma_start3A_38 = arith.constant 0 : i32
      %dma_start3A_39 = tpu.memref_slice %arg4[%mul3A_2, %dma_start3A_38] : memref<1280x128xi32, #tpu.memory_space<hbm>> -> memref<40x128xi32, #tpu.memory_space<hbm>>
      tpu.enqueue_dma source(%dma_start3A_39 : memref<40x128xi32, #tpu.memory_space<hbm>>) target(%arg8 : memref<40x128xi32, #tpu.memory_space<vmem>>) target_semaphore(%run_scoped3A : memref<!tpu.dma_semaphore, #tpu.memory_space<semaphore_mem>>)
      %dma_wait3A = arith.constant 0 : i32
      %dma_wait3A_40 = tpu.memref_slice %arg4[%mul3A_2, %dma_wait3A] : memref<1280x128xi32, #tpu.memory_space<hbm>> -> memref<40x128xi32, #tpu.memory_space<hbm>>
      %dma_wait3A_41 = arith.constant 0 : i32
      %dma_wait3A_42 = tpu.memref_slice %arg4[%mul3A_2, %dma_wait3A_41] : memref<1280x128xi32, #tpu.memory_space<hbm>> -> memref<40x128xi32, #tpu.memory_space<hbm>>
      tpu.wait_dma2 semaphore(%run_scoped3A : memref<!tpu.dma_semaphore, #tpu.memory_space<semaphore_mem>>) src(%dma_wait3A_42 : memref<40x128xi32, #tpu.memory_space<hbm>>) dst(%arg8 : memref<40x128xi32, #tpu.memory_space<vmem>>)
      tpu.yield
    }) : () -> ()
    "tpu.region"() ({
      %run_scoped3A = tpu.sem_alloc : memref<!tpu.dma_semaphore, #tpu.memory_space<semaphore_mem>>
      %dma_start3A_36 = arith.constant 0 : i32
      %dma_start3A_37 = tpu.memref_slice %arg5[%mul3A_2, %dma_start3A_36] : memref<1280x128xi32, #tpu.memory_space<hbm>> -> memref<40x128xi32, #tpu.memory_space<hbm>>
      %dma_start3A_38 = arith.constant 0 : i32
      %dma_start3A_39 = tpu.memref_slice %arg5[%mul3A_2, %dma_start3A_38] : memref<1280x128xi32, #tpu.memory_space<hbm>> -> memref<40x128xi32, #tpu.memory_space<hbm>>
      tpu.enqueue_dma source(%dma_start3A_39 : memref<40x128xi32, #tpu.memory_space<hbm>>) target(%arg9 : memref<40x128xi32, #tpu.memory_space<vmem>>) target_semaphore(%run_scoped3A : memref<!tpu.dma_semaphore, #tpu.memory_space<semaphore_mem>>)
      %dma_wait3A = arith.constant 0 : i32
      %dma_wait3A_40 = tpu.memref_slice %arg5[%mul3A_2, %dma_wait3A] : memref<1280x128xi32, #tpu.memory_space<hbm>> -> memref<40x128xi32, #tpu.memory_space<hbm>>
      %dma_wait3A_41 = arith.constant 0 : i32
      %dma_wait3A_42 = tpu.memref_slice %arg5[%mul3A_2, %dma_wait3A_41] : memref<1280x128xi32, #tpu.memory_space<hbm>> -> memref<40x128xi32, #tpu.memory_space<hbm>>
      tpu.wait_dma2 semaphore(%run_scoped3A : memref<!tpu.dma_semaphore, #tpu.memory_space<semaphore_mem>>) src(%dma_wait3A_42 : memref<40x128xi32, #tpu.memory_space<hbm>>) dst(%arg9 : memref<40x128xi32, #tpu.memory_space<vmem>>)
      tpu.yield
    }) : () -> ()
    %dma_start3A = arith.constant 0 : i32
    %dma_start3A_3 = arith.constant 0 : i32
    %dma_start3A_4 = tpu.memref_slice %arg8[%dma_start3A, %dma_start3A_3] : memref<40x128xi32, #tpu.memory_space<vmem>> -> memref<1x128xi32, #tpu.memory_space<vmem>>
    %dma_start3A_5 = tpu.memref_squeeze %dma_start3A_4 : memref<1x128xi32, #tpu.memory_space<vmem>> -> memref<128xi32, #tpu.memory_space<vmem>>
    %dma_start3A_6 = arith.constant 0 : i32
    %dma_start3A_7 = arith.constant 0 : i32
    %dma_start3A_8 = tpu.memref_slice %arg2[%dma_start3A_6, %dma_start3A_7] : memref<10000x128xi32, #tpu.memory_space<hbm>> -> memref<10000x128xi32, #tpu.memory_space<hbm>>
    tpu.enqueue_indirect_dma source(%dma_start3A_8 : memref<10000x128xi32, #tpu.memory_space<hbm>>) target(%arg10 : memref<128x128xi32, #tpu.memory_space<vmem>>) offsets(%dma_start3A_5 : memref<128xi32, #tpu.memory_space<vmem>>) semaphore(%arg14 : memref<!tpu.dma_semaphore, #tpu.memory_space<semaphore_mem>>)
    %dma_start3A_9 = arith.constant 0 : i32
    %dma_start3A_10 = arith.constant 0 : i32
    %dma_start3A_11 = tpu.memref_slice %arg9[%dma_start3A_9, %dma_start3A_10] : memref<40x128xi32, #tpu.memory_space<vmem>> -> memref<1x128xi32, #tpu.memory_space<vmem>>
    %dma_start3A_12 = tpu.memref_squeeze %dma_start3A_11 : memref<1x128xi32, #tpu.memory_space<vmem>> -> memref<128xi32, #tpu.memory_space<vmem>>
    %dma_start3A_13 = arith.constant 0 : i32
    %dma_start3A_14 = arith.constant 0 : i32
    %dma_start3A_15 = tpu.memref_slice %arg3[%dma_start3A_13, %dma_start3A_14] : memref<10000x128xi32, #tpu.memory_space<hbm>> -> memref<10000x128xi32, #tpu.memory_space<hbm>>
    tpu.enqueue_indirect_dma source(%dma_start3A_15 : memref<10000x128xi32, #tpu.memory_space<hbm>>) target(%arg11 : memref<128x128xi32, #tpu.memory_space<vmem>>) offsets(%dma_start3A_12 : memref<128xi32, #tpu.memory_space<vmem>>) semaphore(%arg14 : memref<!tpu.dma_semaphore, #tpu.memory_space<semaphore_mem>>)
    %dma_start3A_16 = arith.constant 1 : i32
    %dma_start3A_17 = arith.constant 0 : i32
    %dma_start3A_18 = tpu.memref_slice %arg8[%dma_start3A_16, %dma_start3A_17] : memref<40x128xi32, #tpu.memory_space<vmem>> -> memref<1x128xi32, #tpu.memory_space<vmem>>
    %dma_start3A_19 = tpu.memref_squeeze %dma_start3A_18 : memref<1x128xi32, #tpu.memory_space<vmem>> -> memref<128xi32, #tpu.memory_space<vmem>>
    %dma_start3A_20 = arith.constant 0 : i32
    %dma_start3A_21 = arith.constant 0 : i32
    %dma_start3A_22 = tpu.memref_slice %arg2[%dma_start3A_20, %dma_start3A_21] : memref<10000x128xi32, #tpu.memory_space<hbm>> -> memref<10000x128xi32, #tpu.memory_space<hbm>>
    tpu.enqueue_indirect_dma source(%dma_start3A_22 : memref<10000x128xi32, #tpu.memory_space<hbm>>) target(%arg12 : memref<128x128xi32, #tpu.memory_space<vmem>>) offsets(%dma_start3A_19 : memref<128xi32, #tpu.memory_space<vmem>>) semaphore(%arg15 : memref<!tpu.dma_semaphore, #tpu.memory_space<semaphore_mem>>)
    %dma_start3A_23 = arith.constant 1 : i32
    %dma_start3A_24 = arith.constant 0 : i32
    %dma_start3A_25 = tpu.memref_slice %arg9[%dma_start3A_23, %dma_start3A_24] : memref<40x128xi32, #tpu.memory_space<vmem>> -> memref<1x128xi32, #tpu.memory_space<vmem>>
    %dma_start3A_26 = tpu.memref_squeeze %dma_start3A_25 : memref<1x128xi32, #tpu.memory_space<vmem>> -> memref<128xi32, #tpu.memory_space<vmem>>
    %dma_start3A_27 = arith.constant 0 : i32
    %dma_start3A_28 = arith.constant 0 : i32
    %dma_start3A_29 = tpu.memref_slice %arg3[%dma_start3A_27, %dma_start3A_28] : memref<10000x128xi32, #tpu.memory_space<hbm>> -> memref<10000x128xi32, #tpu.memory_space<hbm>>
    tpu.enqueue_indirect_dma source(%dma_start3A_29 : memref<10000x128xi32, #tpu.memory_space<hbm>>) target(%arg13 : memref<128x128xi32, #tpu.memory_space<vmem>>) offsets(%dma_start3A_26 : memref<128xi32, #tpu.memory_space<vmem>>) semaphore(%arg15 : memref<!tpu.dma_semaphore, #tpu.memory_space<semaphore_mem>>)
    %scan3A = arith.constant 0 : i32
    %scan3A_30 = arith.constant 0 : i32
    %scan3A_31 = arith.constant 20 : i32
    %scan3A_32 = arith.addi %scan3A_30, %scan3A_31 : i32
    %scan3A_33 = arith.constant 1 : i32
    %scan3A_34 = scf.for %scan3A_36 = %scan3A_30 to %scan3A_32 step %scan3A_33 iter_args(%scan3A_37 = %scan3A) -> (i32)  : i32 {
      %mul3A_38 = arith.constant 2 : i32
      %mul3A_39 = arith.muli %mul3A_38, %scan3A_36 : i32
      %dma_wait3A = arith.constant 0 : i32
      %dma_wait3A_40 = arith.constant 0 : i32
      %dma_wait3A_41 = tpu.memref_slice %arg8[%dma_wait3A, %dma_wait3A_40] : memref<40x128xi32, #tpu.memory_space<vmem>> -> memref<1x128xi32, #tpu.memory_space<vmem>>
      %dma_wait3A_42 = tpu.memref_squeeze %dma_wait3A_41 : memref<1x128xi32, #tpu.memory_space<vmem>> -> memref<128xi32, #tpu.memory_space<vmem>>
      %dma_wait3A_43 = arith.constant 0 : i32
      %dma_wait3A_44 = arith.constant 0 : i32
      %dma_wait3A_45 = tpu.memref_slice %arg2[%dma_wait3A_43, %dma_wait3A_44] : memref<10000x128xi32, #tpu.memory_space<hbm>> -> memref<10000x128xi32, #tpu.memory_space<hbm>>
      tpu.wait_indirect_dma semaphore(%arg14 : memref<!tpu.dma_semaphore, #tpu.memory_space<semaphore_mem>>) src(%dma_wait3A_45 : memref<10000x128xi32, #tpu.memory_space<hbm>>) dst(%arg10 : memref<128x128xi32, #tpu.memory_space<vmem>>)
      %dma_wait3A_46 = arith.constant 0 : i32
      %dma_wait3A_47 = arith.constant 0 : i32
      %dma_wait3A_48 = tpu.memref_slice %arg9[%dma_wait3A_46, %dma_wait3A_47] : memref<40x128xi32, #tpu.memory_space<vmem>> -> memref<1x128xi32, #tpu.memory_space<vmem>>
      %dma_wait3A_49 = tpu.memref_squeeze %dma_wait3A_48 : memref<1x128xi32, #tpu.memory_space<vmem>> -> memref<128xi32, #tpu.memory_space<vmem>>
      %dma_wait3A_50 = arith.constant 0 : i32
      %dma_wait3A_51 = arith.constant 0 : i32
      %dma_wait3A_52 = tpu.memref_slice %arg3[%dma_wait3A_50, %dma_wait3A_51] : memref<10000x128xi32, #tpu.memory_space<hbm>> -> memref<10000x128xi32, #tpu.memory_space<hbm>>
      tpu.wait_indirect_dma semaphore(%arg14 : memref<!tpu.dma_semaphore, #tpu.memory_space<semaphore_mem>>) src(%dma_wait3A_52 : memref<10000x128xi32, #tpu.memory_space<hbm>>) dst(%arg11 : memref<128x128xi32, #tpu.memory_space<vmem>>)
      %add3A_53 = arith.addi %mul3A_2, %mul3A_39 : i32
      %min3A = arith.constant 1249 : i32
      %min3A_54 = arith.minsi %add3A_53, %min3A : i32
      %mul3A_55 = arith.constant 128 : i32
      %mul3A_56 = arith.muli %min3A_54, %mul3A_55 : i32
      "tpu.region"() ({
        %run_scoped3A = tpu.sem_alloc : memref<!tpu.dma_semaphore, #tpu.memory_space<semaphore_mem>>
        %dma_start3A_94 = arith.constant 0 : i32
        %dma_start3A_95 = tpu.memref_slice %arg6[%mul3A_56, %dma_start3A_94] : memref<160000x128xi32, #tpu.memory_space<hbm>> -> memref<128x128xi32, #tpu.memory_space<hbm>>
        %dma_start3A_96 = arith.constant 0 : i32
        %dma_start3A_97 = tpu.memref_slice %arg6[%mul3A_56, %dma_start3A_96] : memref<160000x128xi32, #tpu.memory_space<hbm>> -> memref<128x128xi32, #tpu.memory_space<hbm>>
        tpu.enqueue_dma source(%arg10 : memref<128x128xi32, #tpu.memory_space<vmem>>) target(%dma_start3A_97 : memref<128x128xi32, #tpu.memory_space<hbm>>) target_semaphore(%run_scoped3A : memref<!tpu.dma_semaphore, #tpu.memory_space<semaphore_mem>>)
        %dma_wait3A_98 = arith.constant 0 : i32
        %dma_wait3A_99 = tpu.memref_slice %arg6[%mul3A_56, %dma_wait3A_98] : memref<160000x128xi32, #tpu.memory_space<hbm>> -> memref<128x128xi32, #tpu.memory_space<hbm>>
        %dma_wait3A_100 = arith.constant 0 : i32
        %dma_wait3A_101 = tpu.memref_slice %arg6[%mul3A_56, %dma_wait3A_100] : memref<160000x128xi32, #tpu.memory_space<hbm>> -> memref<128x128xi32, #tpu.memory_space<hbm>>
        tpu.wait_dma2 semaphore(%run_scoped3A : memref<!tpu.dma_semaphore, #tpu.memory_space<semaphore_mem>>) src(%arg10 : memref<128x128xi32, #tpu.memory_space<vmem>>) dst(%dma_wait3A_101 : memref<128x128xi32, #tpu.memory_space<hbm>>)
        tpu.yield
      }) : () -> ()
      %mul3A_57 = arith.constant 128 : i32
      %mul3A_58 = arith.muli %min3A_54, %mul3A_57 : i32
      "tpu.region"() ({
        %run_scoped3A = tpu.sem_alloc : memref<!tpu.dma_semaphore, #tpu.memory_space<semaphore_mem>>
        %dma_start3A_94 = arith.constant 0 : i32
        %dma_start3A_95 = tpu.memref_slice %arg7[%mul3A_58, %dma_start3A_94] : memref<160000x128xi32, #tpu.memory_space<hbm>> -> memref<128x128xi32, #tpu.memory_space<hbm>>
        %dma_start3A_96 = arith.constant 0 : i32
        %dma_start3A_97 = tpu.memref_slice %arg7[%mul3A_58, %dma_start3A_96] : memref<160000x128xi32, #tpu.memory_space<hbm>> -> memref<128x128xi32, #tpu.memory_space<hbm>>
        tpu.enqueue_dma source(%arg11 : memref<128x128xi32, #tpu.memory_space<vmem>>) target(%dma_start3A_97 : memref<128x128xi32, #tpu.memory_space<hbm>>) target_semaphore(%run_scoped3A : memref<!tpu.dma_semaphore, #tpu.memory_space<semaphore_mem>>)
        %dma_wait3A_98 = arith.constant 0 : i32
        %dma_wait3A_99 = tpu.memref_slice %arg7[%mul3A_58, %dma_wait3A_98] : memref<160000x128xi32, #tpu.memory_space<hbm>> -> memref<128x128xi32, #tpu.memory_space<hbm>>
        %dma_wait3A_100 = arith.constant 0 : i32
        %dma_wait3A_101 = tpu.memref_slice %arg7[%mul3A_58, %dma_wait3A_100] : memref<160000x128xi32, #tpu.memory_space<hbm>> -> memref<128x128xi32, #tpu.memory_space<hbm>>
        tpu.wait_dma2 semaphore(%run_scoped3A : memref<!tpu.dma_semaphore, #tpu.memory_space<semaphore_mem>>) src(%arg11 : memref<128x128xi32, #tpu.memory_space<vmem>>) dst(%dma_wait3A_101 : memref<128x128xi32, #tpu.memory_space<hbm>>)
        tpu.yield
      }) : () -> ()
      %add3A_59 = arith.constant 2 : i32
      %add3A_60 = arith.addi %mul3A_39, %add3A_59 : i32
      %lt3A = arith.constant 40 : i32
      %lt3A_61 = arith.cmpi slt, %add3A_60, %lt3A : i32
      %convert_element_type3A = arith.extui %lt3A_61 : i1 to i32
      %cond3A = arith.constant 0 : i32
      %cond3A_62 = arith.cmpi ne, %convert_element_type3A, %cond3A : i32
      scf.if %cond3A_62 {
        %add3A_94 = arith.constant 2 : i32
        %add3A_95 = arith.addi %mul3A_39, %add3A_94 : i32
        %dma_start3A_96 = arith.constant 0 : i32
        %dma_start3A_97 = tpu.memref_slice %arg8[%add3A_95, %dma_start3A_96] : memref<40x128xi32, #tpu.memory_space<vmem>> -> memref<1x128xi32, #tpu.memory_space<vmem>>
        %dma_start3A_98 = tpu.memref_squeeze %dma_start3A_97 : memref<1x128xi32, #tpu.memory_space<vmem>> -> memref<128xi32, #tpu.memory_space<vmem>>
        %dma_start3A_99 = arith.constant 0 : i32
        %dma_start3A_100 = arith.constant 0 : i32
        %dma_start3A_101 = tpu.memref_slice %arg2[%dma_start3A_99, %dma_start3A_100] : memref<10000x128xi32, #tpu.memory_space<hbm>> -> memref<10000x128xi32, #tpu.memory_space<hbm>>
        tpu.enqueue_indirect_dma source(%dma_start3A_101 : memref<10000x128xi32, #tpu.memory_space<hbm>>) target(%arg10 : memref<128x128xi32, #tpu.memory_space<vmem>>) offsets(%dma_start3A_98 : memref<128xi32, #tpu.memory_space<vmem>>) semaphore(%arg14 : memref<!tpu.dma_semaphore, #tpu.memory_space<semaphore_mem>>)
        %dma_start3A_102 = arith.constant 0 : i32
        %dma_start3A_103 = tpu.memref_slice %arg9[%add3A_95, %dma_start3A_102] : memref<40x128xi32, #tpu.memory_space<vmem>> -> memref<1x128xi32, #tpu.memory_space<vmem>>
        %dma_start3A_104 = tpu.memref_squeeze %dma_start3A_103 : memref<1x128xi32, #tpu.memory_space<vmem>> -> memref<128xi32, #tpu.memory_space<vmem>>
        %dma_start3A_105 = arith.constant 0 : i32
        %dma_start3A_106 = arith.constant 0 : i32
        %dma_start3A_107 = tpu.memref_slice %arg3[%dma_start3A_105, %dma_start3A_106] : memref<10000x128xi32, #tpu.memory_space<hbm>> -> memref<10000x128xi32, #tpu.memory_space<hbm>>
        tpu.enqueue_indirect_dma source(%dma_start3A_107 : memref<10000x128xi32, #tpu.memory_space<hbm>>) target(%arg11 : memref<128x128xi32, #tpu.memory_space<vmem>>) offsets(%dma_start3A_104 : memref<128xi32, #tpu.memory_space<vmem>>) semaphore(%arg14 : memref<!tpu.dma_semaphore, #tpu.memory_space<semaphore_mem>>)
      } else {
      }
      %dma_wait3A_63 = arith.constant 0 : i32
      %dma_wait3A_64 = arith.constant 0 : i32
      %dma_wait3A_65 = tpu.memref_slice %arg8[%dma_wait3A_63, %dma_wait3A_64] : memref<40x128xi32, #tpu.memory_space<vmem>> -> memref<1x128xi32, #tpu.memory_space<vmem>>
      %dma_wait3A_66 = tpu.memref_squeeze %dma_wait3A_65 : memref<1x128xi32, #tpu.memory_space<vmem>> -> memref<128xi32, #tpu.memory_space<vmem>>
      %dma_wait3A_67 = arith.constant 0 : i32
      %dma_wait3A_68 = arith.constant 0 : i32
      %dma_wait3A_69 = tpu.memref_slice %arg2[%dma_wait3A_67, %dma_wait3A_68] : memref<10000x128xi32, #tpu.memory_space<hbm>> -> memref<10000x128xi32, #tpu.memory_space<hbm>>
      tpu.wait_indirect_dma semaphore(%arg15 : memref<!tpu.dma_semaphore, #tpu.memory_space<semaphore_mem>>) src(%dma_wait3A_69 : memref<10000x128xi32, #tpu.memory_space<hbm>>) dst(%arg12 : memref<128x128xi32, #tpu.memory_space<vmem>>)
      %dma_wait3A_70 = arith.constant 0 : i32
      %dma_wait3A_71 = arith.constant 0 : i32
      %dma_wait3A_72 = tpu.memref_slice %arg9[%dma_wait3A_70, %dma_wait3A_71] : memref<40x128xi32, #tpu.memory_space<vmem>> -> memref<1x128xi32, #tpu.memory_space<vmem>>
      %dma_wait3A_73 = tpu.memref_squeeze %dma_wait3A_72 : memref<1x128xi32, #tpu.memory_space<vmem>> -> memref<128xi32, #tpu.memory_space<vmem>>
      %dma_wait3A_74 = arith.constant 0 : i32
      %dma_wait3A_75 = arith.constant 0 : i32
      %dma_wait3A_76 = tpu.memref_slice %arg3[%dma_wait3A_74, %dma_wait3A_75] : memref<10000x128xi32, #tpu.memory_space<hbm>> -> memref<10000x128xi32, #tpu.memory_space<hbm>>
      tpu.wait_indirect_dma semaphore(%arg15 : memref<!tpu.dma_semaphore, #tpu.memory_space<semaphore_mem>>) src(%dma_wait3A_76 : memref<10000x128xi32, #tpu.memory_space<hbm>>) dst(%arg13 : memref<128x128xi32, #tpu.memory_space<vmem>>)
      %add3A_77 = arith.constant 1 : i32
      %add3A_78 = arith.addi %mul3A_39, %add3A_77 : i32
      %add3A_79 = arith.addi %mul3A_2, %add3A_78 : i32
      %min3A_80 = arith.constant 1249 : i32
      %min3A_81 = arith.minsi %add3A_79, %min3A_80 : i32
      %mul3A_82 = arith.constant 128 : i32
      %mul3A_83 = arith.muli %min3A_81, %mul3A_82 : i32
      "tpu.region"() ({
        %run_scoped3A = tpu.sem_alloc : memref<!tpu.dma_semaphore, #tpu.memory_space<semaphore_mem>>
        %dma_start3A_94 = arith.constant 0 : i32
        %dma_start3A_95 = tpu.memref_slice %arg6[%mul3A_83, %dma_start3A_94] : memref<160000x128xi32, #tpu.memory_space<hbm>> -> memref<128x128xi32, #tpu.memory_space<hbm>>
        %dma_start3A_96 = arith.constant 0 : i32
        %dma_start3A_97 = tpu.memref_slice %arg6[%mul3A_83, %dma_start3A_96] : memref<160000x128xi32, #tpu.memory_space<hbm>> -> memref<128x128xi32, #tpu.memory_space<hbm>>
        tpu.enqueue_dma source(%arg12 : memref<128x128xi32, #tpu.memory_space<vmem>>) target(%dma_start3A_97 : memref<128x128xi32, #tpu.memory_space<hbm>>) target_semaphore(%run_scoped3A : memref<!tpu.dma_semaphore, #tpu.memory_space<semaphore_mem>>)
        %dma_wait3A_98 = arith.constant 0 : i32
        %dma_wait3A_99 = tpu.memref_slice %arg6[%mul3A_83, %dma_wait3A_98] : memref<160000x128xi32, #tpu.memory_space<hbm>> -> memref<128x128xi32, #tpu.memory_space<hbm>>
        %dma_wait3A_100 = arith.constant 0 : i32
        %dma_wait3A_101 = tpu.memref_slice %arg6[%mul3A_83, %dma_wait3A_100] : memref<160000x128xi32, #tpu.memory_space<hbm>> -> memref<128x128xi32, #tpu.memory_space<hbm>>
        tpu.wait_dma2 semaphore(%run_scoped3A : memref<!tpu.dma_semaphore, #tpu.memory_space<semaphore_mem>>) src(%arg12 : memref<128x128xi32, #tpu.memory_space<vmem>>) dst(%dma_wait3A_101 : memref<128x128xi32, #tpu.memory_space<hbm>>)
        tpu.yield
      }) : () -> ()
      %mul3A_84 = arith.constant 128 : i32
      %mul3A_85 = arith.muli %min3A_81, %mul3A_84 : i32
      "tpu.region"() ({
        %run_scoped3A = tpu.sem_alloc : memref<!tpu.dma_semaphore, #tpu.memory_space<semaphore_mem>>
        %dma_start3A_94 = arith.constant 0 : i32
        %dma_start3A_95 = tpu.memref_slice %arg7[%mul3A_85, %dma_start3A_94] : memref<160000x128xi32, #tpu.memory_space<hbm>> -> memref<128x128xi32, #tpu.memory_space<hbm>>
        %dma_start3A_96 = arith.constant 0 : i32
        %dma_start3A_97 = tpu.memref_slice %arg7[%mul3A_85, %dma_start3A_96] : memref<160000x128xi32, #tpu.memory_space<hbm>> -> memref<128x128xi32, #tpu.memory_space<hbm>>
        tpu.enqueue_dma source(%arg13 : memref<128x128xi32, #tpu.memory_space<vmem>>) target(%dma_start3A_97 : memref<128x128xi32, #tpu.memory_space<hbm>>) target_semaphore(%run_scoped3A : memref<!tpu.dma_semaphore, #tpu.memory_space<semaphore_mem>>)
        %dma_wait3A_98 = arith.constant 0 : i32
        %dma_wait3A_99 = tpu.memref_slice %arg7[%mul3A_85, %dma_wait3A_98] : memref<160000x128xi32, #tpu.memory_space<hbm>> -> memref<128x128xi32, #tpu.memory_space<hbm>>
        %dma_wait3A_100 = arith.constant 0 : i32
        %dma_wait3A_101 = tpu.memref_slice %arg7[%mul3A_85, %dma_wait3A_100] : memref<160000x128xi32, #tpu.memory_space<hbm>> -> memref<128x128xi32, #tpu.memory_space<hbm>>
        tpu.wait_dma2 semaphore(%run_scoped3A : memref<!tpu.dma_semaphore, #tpu.memory_space<semaphore_mem>>) src(%arg13 : memref<128x128xi32, #tpu.memory_space<vmem>>) dst(%dma_wait3A_101 : memref<128x128xi32, #tpu.memory_space<hbm>>)
        tpu.yield
      }) : () -> ()
      %add3A_86 = arith.constant 3 : i32
      %add3A_87 = arith.addi %mul3A_39, %add3A_86 : i32
      %lt3A_88 = arith.constant 40 : i32
      %lt3A_89 = arith.cmpi slt, %add3A_87, %lt3A_88 : i32
      %convert_element_type3A_90 = arith.extui %lt3A_89 : i1 to i32
      %cond3A_91 = arith.constant 0 : i32
      %cond3A_92 = arith.cmpi ne, %convert_element_type3A_90, %cond3A_91 : i32
      scf.if %cond3A_92 {
        %add3A_94 = arith.constant 3 : i32
        %add3A_95 = arith.addi %mul3A_39, %add3A_94 : i32
        %dma_start3A_96 = arith.constant 0 : i32
        %dma_start3A_97 = tpu.memref_slice %arg8[%add3A_95, %dma_start3A_96] : memref<40x128xi32, #tpu.memory_space<vmem>> -> memref<1x128xi32, #tpu.memory_space<vmem>>
        %dma_start3A_98 = tpu.memref_squeeze %dma_start3A_97 : memref<1x128xi32, #tpu.memory_space<vmem>> -> memref<128xi32, #tpu.memory_space<vmem>>
        %dma_start3A_99 = arith.constant 0 : i32
        %dma_start3A_100 = arith.constant 0 : i32
        %dma_start3A_101 = tpu.memref_slice %arg2[%dma_start3A_99, %dma_start3A_100] : memref<10000x128xi32, #tpu.memory_space<hbm>> -> memref<10000x128xi32, #tpu.memory_space<hbm>>
        tpu.enqueue_indirect_dma source(%dma_start3A_101 : memref<10000x128xi32, #tpu.memory_space<hbm>>) target(%arg12 : memref<128x128xi32, #tpu.memory_space<vmem>>) offsets(%dma_start3A_98 : memref<128xi32, #tpu.memory_space<vmem>>) semaphore(%arg15 : memref<!tpu.dma_semaphore, #tpu.memory_space<semaphore_mem>>)
        %dma_start3A_102 = arith.constant 0 : i32
        %dma_start3A_103 = tpu.memref_slice %arg9[%add3A_95, %dma_start3A_102] : memref<40x128xi32, #tpu.memory_space<vmem>> -> memref<1x128xi32, #tpu.memory_space<vmem>>
        %dma_start3A_104 = tpu.memref_squeeze %dma_start3A_103 : memref<1x128xi32, #tpu.memory_space<vmem>> -> memref<128xi32, #tpu.memory_space<vmem>>
        %dma_start3A_105 = arith.constant 0 : i32
        %dma_start3A_106 = arith.constant 0 : i32
        %dma_start3A_107 = tpu.memref_slice %arg3[%dma_start3A_105, %dma_start3A_106] : memref<10000x128xi32, #tpu.memory_space<hbm>> -> memref<10000x128xi32, #tpu.memory_space<hbm>>
        tpu.enqueue_indirect_dma source(%dma_start3A_107 : memref<10000x128xi32, #tpu.memory_space<hbm>>) target(%arg13 : memref<128x128xi32, #tpu.memory_space<vmem>>) offsets(%dma_start3A_104 : memref<128xi32, #tpu.memory_space<vmem>>) semaphore(%arg15 : memref<!tpu.dma_semaphore, #tpu.memory_space<semaphore_mem>>)
      } else {
      }
      %scan3A_93 = arith.constant 0 : i32
      scf.yield %scan3A_93 : i32
    }
    %scan3A_35 = arith.constant 20 : i32
    return
  }
}

#map = affine_map<(d0, d1) -> (0, 0)>
#map1 = affine_map<(d0, d1) -> (0, 0, 0)>
module attributes {stable_mosaic.version = 14 : i64} {
  func.func @_scatter(%arg0: i32, %arg1: i32, %arg2: memref<160000x128xf32, #tpu.memory_space<hbm>>, %arg3: memref<1280x128xi32, #tpu.memory_space<hbm>>, %arg4: memref<2x10240x128xf32, #tpu.memory_space<hbm>>, %arg5: memref<10240x128xf32, #tpu.memory_space<vmem_shared>>, %arg6: memref<40x128xi32, #tpu.memory_space<vmem>>, %arg7: memref<128x128xf32, #tpu.memory_space<vmem>>, %arg8: memref<128x128xf32, #tpu.memory_space<vmem>>, %arg9: memref<!tpu.dma_semaphore, #tpu.memory_space<semaphore_mem>>, %arg10: memref<!tpu.dma_semaphore, #tpu.memory_space<semaphore_mem>>) attributes {dimension_semantics = [#tpu.dimension_semantics<core_parallel>, #tpu.dimension_semantics<subcore_parallel>], iteration_bounds = array<i64: 2, 16>, scalar_prefetch = 0 : i64, scratch_operands = 6 : i64, tpu.core_type = #tpu.core_type<sc_vector_subcore>, window_params = [{transform_indices = #map}, {transform_indices = #map}, {transform_indices = #map1}]} {
    %mul3A = arith.constant 2 : i32
    %mul3A_0 = arith.muli %arg1, %mul3A : i32
    %add3A = arith.addi %mul3A_0, %arg0 : i32
    %broadcast_in_dim3A = arith.constant 0.000000e+00 : f32
    %broadcast_in_dim3A_1 = vector.broadcast %broadcast_in_dim3A : f32 to vector<16xf32>
    %scan3A = arith.constant 0 : i32
    %scan3A_2 = arith.constant 0 : i32
    %scan3A_3 = arith.constant 128 : i32
    %scan3A_4 = arith.addi %scan3A_2, %scan3A_3 : i32
    %scan3A_5 = arith.constant 1 : i32
    %scan3A_6 = scf.for %scan3A_76 = %scan3A_2 to %scan3A_4 step %scan3A_5 iter_args(%scan3A_77 = %scan3A) -> (i32)  : i32 {
      %swap3A = arith.index_cast %scan3A_76 : i32 to index
      %swap3A_78 = arith.constant 0 : index
      %swap3A_79 = tpu.vector_load %arg7[%swap3A, %swap3A_78] {strides = array<i32>} : memref<128x128xf32, #tpu.memory_space<vmem>>, vector<1x16xf32>,
      %swap3A_80 = vector.shape_cast %swap3A_79 : vector<1x16xf32> to vector<16xf32>
      %swap3A_81 = vector.shape_cast %broadcast_in_dim3A_1 : vector<16xf32> to vector<1x16xf32>
      tpu.vector_store %arg7[%swap3A, %swap3A_78], %swap3A_81 {strides = array<i32>} : memref<128x128xf32, #tpu.memory_space<vmem>>, vector<1x16xf32>,
      %swap3A_82 = arith.index_cast %scan3A_76 : i32 to index
      %swap3A_83 = arith.constant 16 : index
      %swap3A_84 = tpu.vector_load %arg7[%swap3A_82, %swap3A_83] {strides = array<i32>} : memref<128x128xf32, #tpu.memory_space<vmem>>, vector<1x16xf32>,
      %swap3A_85 = vector.shape_cast %swap3A_84 : vector<1x16xf32> to vector<16xf32>
      %swap3A_86 = vector.shape_cast %broadcast_in_dim3A_1 : vector<16xf32> to vector<1x16xf32>
      tpu.vector_store %arg7[%swap3A_82, %swap3A_83], %swap3A_86 {strides = array<i32>} : memref<128x128xf32, #tpu.memory_space<vmem>>, vector<1x16xf32>,
      %swap3A_87 = arith.index_cast %scan3A_76 : i32 to index
      %swap3A_88 = arith.constant 32 : index
      %swap3A_89 = tpu.vector_load %arg7[%swap3A_87, %swap3A_88] {strides = array<i32>} : memref<128x128xf32, #tpu.memory_space<vmem>>, vector<1x16xf32>,
      %swap3A_90 = vector.shape_cast %swap3A_89 : vector<1x16xf32> to vector<16xf32>
      %swap3A_91 = vector.shape_cast %broadcast_in_dim3A_1 : vector<16xf32> to vector<1x16xf32>
      tpu.vector_store %arg7[%swap3A_87, %swap3A_88], %swap3A_91 {strides = array<i32>} : memref<128x128xf32, #tpu.memory_space<vmem>>, vector<1x16xf32>,
      %swap3A_92 = arith.index_cast %scan3A_76 : i32 to index
      %swap3A_93 = arith.constant 48 : index
      %swap3A_94 = tpu.vector_load %arg7[%swap3A_92, %swap3A_93] {strides = array<i32>} : memref<128x128xf32, #tpu.memory_space<vmem>>, vector<1x16xf32>,
      %swap3A_95 = vector.shape_cast %swap3A_94 : vector<1x16xf32> to vector<16xf32>
      %swap3A_96 = vector.shape_cast %broadcast_in_dim3A_1 : vector<16xf32> to vector<1x16xf32>
      tpu.vector_store %arg7[%swap3A_92, %swap3A_93], %swap3A_96 {strides = array<i32>} : memref<128x128xf32, #tpu.memory_space<vmem>>, vector<1x16xf32>,
      %swap3A_97 = arith.index_cast %scan3A_76 : i32 to index
      %swap3A_98 = arith.constant 64 : index
      %swap3A_99 = tpu.vector_load %arg7[%swap3A_97, %swap3A_98] {strides = array<i32>} : memref<128x128xf32, #tpu.memory_space<vmem>>, vector<1x16xf32>,
      %swap3A_100 = vector.shape_cast %swap3A_99 : vector<1x16xf32> to vector<16xf32>
      %swap3A_101 = vector.shape_cast %broadcast_in_dim3A_1 : vector<16xf32> to vector<1x16xf32>
      tpu.vector_store %arg7[%swap3A_97, %swap3A_98], %swap3A_101 {strides = array<i32>} : memref<128x128xf32, #tpu.memory_space<vmem>>, vector<1x16xf32>,
      %swap3A_102 = arith.index_cast %scan3A_76 : i32 to index
      %swap3A_103 = arith.constant 80 : index
      %swap3A_104 = tpu.vector_load %arg7[%swap3A_102, %swap3A_103] {strides = array<i32>} : memref<128x128xf32, #tpu.memory_space<vmem>>, vector<1x16xf32>,
      %swap3A_105 = vector.shape_cast %swap3A_104 : vector<1x16xf32> to vector<16xf32>
      %swap3A_106 = vector.shape_cast %broadcast_in_dim3A_1 : vector<16xf32> to vector<1x16xf32>
      tpu.vector_store %arg7[%swap3A_102, %swap3A_103], %swap3A_106 {strides = array<i32>} : memref<128x128xf32, #tpu.memory_space<vmem>>, vector<1x16xf32>,
      %swap3A_107 = arith.index_cast %scan3A_76 : i32 to index
      %swap3A_108 = arith.constant 96 : index
      %swap3A_109 = tpu.vector_load %arg7[%swap3A_107, %swap3A_108] {strides = array<i32>} : memref<128x128xf32, #tpu.memory_space<vmem>>, vector<1x16xf32>,
      %swap3A_110 = vector.shape_cast %swap3A_109 : vector<1x16xf32> to vector<16xf32>
      %swap3A_111 = vector.shape_cast %broadcast_in_dim3A_1 : vector<16xf32> to vector<1x16xf32>
      tpu.vector_store %arg7[%swap3A_107, %swap3A_108], %swap3A_111 {strides = array<i32>} : memref<128x128xf32, #tpu.memory_space<vmem>>, vector<1x16xf32>,
      %swap3A_112 = arith.index_cast %scan3A_76 : i32 to index
      %swap3A_113 = arith.constant 112 : index
      %swap3A_114 = tpu.vector_load %arg7[%swap3A_112, %swap3A_113] {strides = array<i32>} : memref<128x128xf32, #tpu.memory_space<vmem>>, vector<1x16xf32>,
      %swap3A_115 = vector.shape_cast %swap3A_114 : vector<1x16xf32> to vector<16xf32>
      %swap3A_116 = vector.shape_cast %broadcast_in_dim3A_1 : vector<16xf32> to vector<1x16xf32>
      tpu.vector_store %arg7[%swap3A_112, %swap3A_113], %swap3A_116 {strides = array<i32>} : memref<128x128xf32, #tpu.memory_space<vmem>>, vector<1x16xf32>,
      %scan3A_117 = arith.constant 0 : i32
      scf.yield %scan3A_117 : i32
    }
    %scan3A_7 = arith.constant 128 : i32
    %mul3A_8 = arith.constant 640 : i32
    %mul3A_9 = arith.muli %arg1, %mul3A_8 : i32
    %add3A_10 = arith.constant 0 : i32
    %add3A_11 = arith.addi %mul3A_9, %add3A_10 : i32
    "tpu.region"() ({
      %run_scoped3A = tpu.sem_alloc : memref<!tpu.dma_semaphore, #tpu.memory_space<semaphore_mem>>
      %dma_start3A_76 = arith.constant 0 : i32
      %dma_start3A_77 = tpu.memref_slice %arg5[%add3A_11, %dma_start3A_76] : memref<10240x128xf32, #tpu.memory_space<vmem_shared>> -> memref<128x128xf32, #tpu.memory_space<vmem_shared>>
      %dma_start3A_78 = arith.constant 0 : i32
      %dma_start3A_79 = tpu.memref_slice %arg5[%add3A_11, %dma_start3A_78] : memref<10240x128xf32, #tpu.memory_space<vmem_shared>> -> memref<128x128xf32, #tpu.memory_space<vmem_shared>>
      tpu.enqueue_dma source(%arg7 : memref<128x128xf32, #tpu.memory_space<vmem>>) target(%dma_start3A_79 : memref<128x128xf32, #tpu.memory_space<vmem_shared>>) target_semaphore(%run_scoped3A : memref<!tpu.dma_semaphore, #tpu.memory_space<semaphore_mem>>)
      %dma_wait3A = arith.constant 0 : i32
      %dma_wait3A_80 = tpu.memref_slice %arg5[%add3A_11, %dma_wait3A] : memref<10240x128xf32, #tpu.memory_space<vmem_shared>> -> memref<128x128xf32, #tpu.memory_space<vmem_shared>>
      %dma_wait3A_81 = arith.constant 0 : i32
      %dma_wait3A_82 = tpu.memref_slice %arg5[%add3A_11, %dma_wait3A_81] : memref<10240x128xf32, #tpu.memory_space<vmem_shared>> -> memref<128x128xf32, #tpu.memory_space<vmem_shared>>
      tpu.wait_dma2 semaphore(%run_scoped3A : memref<!tpu.dma_semaphore, #tpu.memory_space<semaphore_mem>>) src(%arg7 : memref<128x128xf32, #tpu.memory_space<vmem>>) dst(%dma_wait3A_82 : memref<128x128xf32, #tpu.memory_space<vmem_shared>>)
      tpu.yield
    }) : () -> ()
    %mul3A_12 = arith.constant 640 : i32
    %mul3A_13 = arith.muli %arg1, %mul3A_12 : i32
    %add3A_14 = arith.constant 128 : i32
    %add3A_15 = arith.addi %mul3A_13, %add3A_14 : i32
    "tpu.region"() ({
      %run_scoped3A = tpu.sem_alloc : memref<!tpu.dma_semaphore, #tpu.memory_space<semaphore_mem>>
      %dma_start3A_76 = arith.constant 0 : i32
      %dma_start3A_77 = tpu.memref_slice %arg5[%add3A_15, %dma_start3A_76] : memref<10240x128xf32, #tpu.memory_space<vmem_shared>> -> memref<128x128xf32, #tpu.memory_space<vmem_shared>>
      %dma_start3A_78 = arith.constant 0 : i32
      %dma_start3A_79 = tpu.memref_slice %arg5[%add3A_15, %dma_start3A_78] : memref<10240x128xf32, #tpu.memory_space<vmem_shared>> -> memref<128x128xf32, #tpu.memory_space<vmem_shared>>
      tpu.enqueue_dma source(%arg7 : memref<128x128xf32, #tpu.memory_space<vmem>>) target(%dma_start3A_79 : memref<128x128xf32, #tpu.memory_space<vmem_shared>>) target_semaphore(%run_scoped3A : memref<!tpu.dma_semaphore, #tpu.memory_space<semaphore_mem>>)
      %dma_wait3A = arith.constant 0 : i32
      %dma_wait3A_80 = tpu.memref_slice %arg5[%add3A_15, %dma_wait3A] : memref<10240x128xf32, #tpu.memory_space<vmem_shared>> -> memref<128x128xf32, #tpu.memory_space<vmem_shared>>
      %dma_wait3A_81 = arith.constant 0 : i32
      %dma_wait3A_82 = tpu.memref_slice %arg5[%add3A_15, %dma_wait3A_81] : memref<10240x128xf32, #tpu.memory_space<vmem_shared>> -> memref<128x128xf32, #tpu.memory_space<vmem_shared>>
      tpu.wait_dma2 semaphore(%run_scoped3A : memref<!tpu.dma_semaphore, #tpu.memory_space<semaphore_mem>>) src(%arg7 : memref<128x128xf32, #tpu.memory_space<vmem>>) dst(%dma_wait3A_82 : memref<128x128xf32, #tpu.memory_space<vmem_shared>>)
      tpu.yield
    }) : () -> ()
    %mul3A_16 = arith.constant 640 : i32
    %mul3A_17 = arith.muli %arg1, %mul3A_16 : i32
    %add3A_18 = arith.constant 256 : i32
    %add3A_19 = arith.addi %mul3A_17, %add3A_18 : i32
    "tpu.region"() ({
      %run_scoped3A = tpu.sem_alloc : memref<!tpu.dma_semaphore, #tpu.memory_space<semaphore_mem>>
      %dma_start3A_76 = arith.constant 0 : i32
      %dma_start3A_77 = tpu.memref_slice %arg5[%add3A_19, %dma_start3A_76] : memref<10240x128xf32, #tpu.memory_space<vmem_shared>> -> memref<128x128xf32, #tpu.memory_space<vmem_shared>>
      %dma_start3A_78 = arith.constant 0 : i32
      %dma_start3A_79 = tpu.memref_slice %arg5[%add3A_19, %dma_start3A_78] : memref<10240x128xf32, #tpu.memory_space<vmem_shared>> -> memref<128x128xf32, #tpu.memory_space<vmem_shared>>
      tpu.enqueue_dma source(%arg7 : memref<128x128xf32, #tpu.memory_space<vmem>>) target(%dma_start3A_79 : memref<128x128xf32, #tpu.memory_space<vmem_shared>>) target_semaphore(%run_scoped3A : memref<!tpu.dma_semaphore, #tpu.memory_space<semaphore_mem>>)
      %dma_wait3A = arith.constant 0 : i32
      %dma_wait3A_80 = tpu.memref_slice %arg5[%add3A_19, %dma_wait3A] : memref<10240x128xf32, #tpu.memory_space<vmem_shared>> -> memref<128x128xf32, #tpu.memory_space<vmem_shared>>
      %dma_wait3A_81 = arith.constant 0 : i32
      %dma_wait3A_82 = tpu.memref_slice %arg5[%add3A_19, %dma_wait3A_81] : memref<10240x128xf32, #tpu.memory_space<vmem_shared>> -> memref<128x128xf32, #tpu.memory_space<vmem_shared>>
      tpu.wait_dma2 semaphore(%run_scoped3A : memref<!tpu.dma_semaphore, #tpu.memory_space<semaphore_mem>>) src(%arg7 : memref<128x128xf32, #tpu.memory_space<vmem>>) dst(%dma_wait3A_82 : memref<128x128xf32, #tpu.memory_space<vmem_shared>>)
      tpu.yield
    }) : () -> ()
    %mul3A_20 = arith.constant 640 : i32
    %mul3A_21 = arith.muli %arg1, %mul3A_20 : i32
    %add3A_22 = arith.constant 384 : i32
    %add3A_23 = arith.addi %mul3A_21, %add3A_22 : i32
    "tpu.region"() ({
      %run_scoped3A = tpu.sem_alloc : memref<!tpu.dma_semaphore, #tpu.memory_space<semaphore_mem>>
      %dma_start3A_76 = arith.constant 0 : i32
      %dma_start3A_77 = tpu.memref_slice %arg5[%add3A_23, %dma_start3A_76] : memref<10240x128xf32, #tpu.memory_space<vmem_shared>> -> memref<128x128xf32, #tpu.memory_space<vmem_shared>>
      %dma_start3A_78 = arith.constant 0 : i32
      %dma_start3A_79 = tpu.memref_slice %arg5[%add3A_23, %dma_start3A_78] : memref<10240x128xf32, #tpu.memory_space<vmem_shared>> -> memref<128x128xf32, #tpu.memory_space<vmem_shared>>
      tpu.enqueue_dma source(%arg7 : memref<128x128xf32, #tpu.memory_space<vmem>>) target(%dma_start3A_79 : memref<128x128xf32, #tpu.memory_space<vmem_shared>>) target_semaphore(%run_scoped3A : memref<!tpu.dma_semaphore, #tpu.memory_space<semaphore_mem>>)
      %dma_wait3A = arith.constant 0 : i32
      %dma_wait3A_80 = tpu.memref_slice %arg5[%add3A_23, %dma_wait3A] : memref<10240x128xf32, #tpu.memory_space<vmem_shared>> -> memref<128x128xf32, #tpu.memory_space<vmem_shared>>
      %dma_wait3A_81 = arith.constant 0 : i32
      %dma_wait3A_82 = tpu.memref_slice %arg5[%add3A_23, %dma_wait3A_81] : memref<10240x128xf32, #tpu.memory_space<vmem_shared>> -> memref<128x128xf32, #tpu.memory_space<vmem_shared>>
      tpu.wait_dma2 semaphore(%run_scoped3A : memref<!tpu.dma_semaphore, #tpu.memory_space<semaphore_mem>>) src(%arg7 : memref<128x128xf32, #tpu.memory_space<vmem>>) dst(%dma_wait3A_82 : memref<128x128xf32, #tpu.memory_space<vmem_shared>>)
      tpu.yield
    }) : () -> ()
    %mul3A_24 = arith.constant 640 : i32
    %mul3A_25 = arith.muli %arg1, %mul3A_24 : i32
    %add3A_26 = arith.constant 512 : i32
    %add3A_27 = arith.addi %mul3A_25, %add3A_26 : i32
    "tpu.region"() ({
      %run_scoped3A = tpu.sem_alloc : memref<!tpu.dma_semaphore, #tpu.memory_space<semaphore_mem>>
      %dma_start3A_76 = arith.constant 0 : i32
      %dma_start3A_77 = tpu.memref_slice %arg5[%add3A_27, %dma_start3A_76] : memref<10240x128xf32, #tpu.memory_space<vmem_shared>> -> memref<128x128xf32, #tpu.memory_space<vmem_shared>>
      %dma_start3A_78 = arith.constant 0 : i32
      %dma_start3A_79 = tpu.memref_slice %arg5[%add3A_27, %dma_start3A_78] : memref<10240x128xf32, #tpu.memory_space<vmem_shared>> -> memref<128x128xf32, #tpu.memory_space<vmem_shared>>
      tpu.enqueue_dma source(%arg7 : memref<128x128xf32, #tpu.memory_space<vmem>>) target(%dma_start3A_79 : memref<128x128xf32, #tpu.memory_space<vmem_shared>>) target_semaphore(%run_scoped3A : memref<!tpu.dma_semaphore, #tpu.memory_space<semaphore_mem>>)
      %dma_wait3A = arith.constant 0 : i32
      %dma_wait3A_80 = tpu.memref_slice %arg5[%add3A_27, %dma_wait3A] : memref<10240x128xf32, #tpu.memory_space<vmem_shared>> -> memref<128x128xf32, #tpu.memory_space<vmem_shared>>
      %dma_wait3A_81 = arith.constant 0 : i32
      %dma_wait3A_82 = tpu.memref_slice %arg5[%add3A_27, %dma_wait3A_81] : memref<10240x128xf32, #tpu.memory_space<vmem_shared>> -> memref<128x128xf32, #tpu.memory_space<vmem_shared>>
      tpu.wait_dma2 semaphore(%run_scoped3A : memref<!tpu.dma_semaphore, #tpu.memory_space<semaphore_mem>>) src(%arg7 : memref<128x128xf32, #tpu.memory_space<vmem>>) dst(%dma_wait3A_82 : memref<128x128xf32, #tpu.memory_space<vmem_shared>>)
      tpu.yield
    }) : () -> ()
    %barrier3A = arith.constant 0 : index
    tpu.barrier barrier_id(%barrier3A)
    %mul3A_28 = arith.constant 40 : i32
    %mul3A_29 = arith.muli %add3A, %mul3A_28 : i32
    "tpu.region"() ({
      %run_scoped3A = tpu.sem_alloc : memref<!tpu.dma_semaphore, #tpu.memory_space<semaphore_mem>>
      %dma_start3A_76 = arith.constant 0 : i32
      %dma_start3A_77 = tpu.memref_slice %arg3[%mul3A_29, %dma_start3A_76] : memref<1280x128xi32, #tpu.memory_space<hbm>> -> memref<40x128xi32, #tpu.memory_space<hbm>>
      %dma_start3A_78 = arith.constant 0 : i32
      %dma_start3A_79 = tpu.memref_slice %arg3[%mul3A_29, %dma_start3A_78] : memref<1280x128xi32, #tpu.memory_space<hbm>> -> memref<40x128xi32, #tpu.memory_space<hbm>>
      tpu.enqueue_dma source(%dma_start3A_79 : memref<40x128xi32, #tpu.memory_space<hbm>>) target(%arg6 : memref<40x128xi32, #tpu.memory_space<vmem>>) target_semaphore(%run_scoped3A : memref<!tpu.dma_semaphore, #tpu.memory_space<semaphore_mem>>)
      %dma_wait3A = arith.constant 0 : i32
      %dma_wait3A_80 = tpu.memref_slice %arg3[%mul3A_29, %dma_wait3A] : memref<1280x128xi32, #tpu.memory_space<hbm>> -> memref<40x128xi32, #tpu.memory_space<hbm>>
      %dma_wait3A_81 = arith.constant 0 : i32
      %dma_wait3A_82 = tpu.memref_slice %arg3[%mul3A_29, %dma_wait3A_81] : memref<1280x128xi32, #tpu.memory_space<hbm>> -> memref<40x128xi32, #tpu.memory_space<hbm>>
      tpu.wait_dma2 semaphore(%run_scoped3A : memref<!tpu.dma_semaphore, #tpu.memory_space<semaphore_mem>>) src(%dma_wait3A_82 : memref<40x128xi32, #tpu.memory_space<hbm>>) dst(%arg6 : memref<40x128xi32, #tpu.memory_space<vmem>>)
      tpu.yield
    }) : () -> ()
    %add3A_30 = arith.constant 0 : i32
    %add3A_31 = arith.addi %mul3A_29, %add3A_30 : i32
    %min3A = arith.constant 1249 : i32
    %min3A_32 = arith.minsi %add3A_31, %min3A : i32
    %mul3A_33 = arith.constant 128 : i32
    %mul3A_34 = arith.muli %min3A_32, %mul3A_33 : i32
    %dma_start3A = arith.constant 0 : i32
    %dma_start3A_35 = tpu.memref_slice %arg2[%mul3A_34, %dma_start3A] : memref<160000x128xf32, #tpu.memory_space<hbm>> -> memref<128x128xf32, #tpu.memory_space<hbm>>
    %dma_start3A_36 = arith.constant 0 : i32
    %dma_start3A_37 = tpu.memref_slice %arg2[%mul3A_34, %dma_start3A_36] : memref<160000x128xf32, #tpu.memory_space<hbm>> -> memref<128x128xf32, #tpu.memory_space<hbm>>
    tpu.enqueue_dma source(%dma_start3A_37 : memref<128x128xf32, #tpu.memory_space<hbm>>) target(%arg7 : memref<128x128xf32, #tpu.memory_space<vmem>>) target_semaphore(%arg9 : memref<!tpu.dma_semaphore, #tpu.memory_space<semaphore_mem>>)
    %add3A_38 = arith.constant 1 : i32
    %add3A_39 = arith.addi %mul3A_29, %add3A_38 : i32
    %min3A_40 = arith.constant 1249 : i32
    %min3A_41 = arith.minsi %add3A_39, %min3A_40 : i32
    %mul3A_42 = arith.constant 128 : i32
    %mul3A_43 = arith.muli %min3A_41, %mul3A_42 : i32
    %dma_start3A_44 = arith.constant 0 : i32
    %dma_start3A_45 = tpu.memref_slice %arg2[%mul3A_43, %dma_start3A_44] : memref<160000x128xf32, #tpu.memory_space<hbm>> -> memref<128x128xf32, #tpu.memory_space<hbm>>
    %dma_start3A_46 = arith.constant 0 : i32
    %dma_start3A_47 = tpu.memref_slice %arg2[%mul3A_43, %dma_start3A_46] : memref<160000x128xf32, #tpu.memory_space<hbm>> -> memref<128x128xf32, #tpu.memory_space<hbm>>
    tpu.enqueue_dma source(%dma_start3A_47 : memref<128x128xf32, #tpu.memory_space<hbm>>) target(%arg8 : memref<128x128xf32, #tpu.memory_space<vmem>>) target_semaphore(%arg10 : memref<!tpu.dma_semaphore, #tpu.memory_space<semaphore_mem>>)
    %scan3A_48 = arith.constant 0 : i32
    %scan3A_49 = arith.constant 0 : i32
    %scan3A_50 = arith.constant 20 : i32
    %scan3A_51 = arith.addi %scan3A_49, %scan3A_50 : i32
    %scan3A_52 = arith.constant 1 : i32
    %scan3A_53 = scf.for %scan3A_76 = %scan3A_49 to %scan3A_51 step %scan3A_52 iter_args(%scan3A_77 = %scan3A_48) -> (i32)  : i32 {
      %mul3A_78 = arith.constant 2 : i32
      %mul3A_79 = arith.muli %mul3A_78, %scan3A_76 : i32
      %dma_wait3A = arith.constant 0 : i32
      %dma_wait3A_80 = arith.constant 0 : i32
      %dma_wait3A_81 = tpu.memref_slice %arg2[%dma_wait3A, %dma_wait3A_80] : memref<160000x128xf32, #tpu.memory_space<hbm>> -> memref<128x128xf32, #tpu.memory_space<hbm>>
      %dma_wait3A_82 = arith.constant 0 : i32
      %dma_wait3A_83 = arith.constant 0 : i32
      %dma_wait3A_84 = tpu.memref_slice %arg2[%dma_wait3A_82, %dma_wait3A_83] : memref<160000x128xf32, #tpu.memory_space<hbm>> -> memref<128x128xf32, #tpu.memory_space<hbm>>
      tpu.wait_dma2 semaphore(%arg9 : memref<!tpu.dma_semaphore, #tpu.memory_space<semaphore_mem>>) src(%dma_wait3A_84 : memref<128x128xf32, #tpu.memory_space<hbm>>) dst(%arg7 : memref<128x128xf32, #tpu.memory_space<vmem>>)
      "tpu.region"() ({
        %run_scoped3A = tpu.sem_alloc : memref<!tpu.dma_semaphore, #tpu.memory_space<semaphore_mem>>
        %dma_start3A_105 = arith.constant 0 : i32
        %dma_start3A_106 = tpu.memref_slice %arg6[%mul3A_79, %dma_start3A_105] : memref<40x128xi32, #tpu.memory_space<vmem>> -> memref<1x128xi32, #tpu.memory_space<vmem>>
        %dma_start3A_107 = tpu.memref_squeeze %dma_start3A_106 : memref<1x128xi32, #tpu.memory_space<vmem>> -> memref<128xi32, #tpu.memory_space<vmem>>
        %dma_start3A_108 = arith.constant 0 : i32
        %dma_start3A_109 = arith.constant 0 : i32
        %dma_start3A_110 = tpu.memref_slice %arg5[%dma_start3A_108, %dma_start3A_109] : memref<10240x128xf32, #tpu.memory_space<vmem_shared>> -> memref<10240x128xf32, #tpu.memory_space<vmem_shared>>
        tpu.enqueue_indirect_dma source(%arg7 : memref<128x128xf32, #tpu.memory_space<vmem>>) target(%dma_start3A_110 : memref<10240x128xf32, #tpu.memory_space<vmem_shared>>) offsets(%dma_start3A_107 : memref<128xi32, #tpu.memory_space<vmem>>) semaphore(%run_scoped3A : memref<!tpu.dma_semaphore, #tpu.memory_space<semaphore_mem>>) {add = true}
        %dma_wait3A_111 = arith.constant 0 : i32
        %dma_wait3A_112 = tpu.memref_slice %arg6[%mul3A_79, %dma_wait3A_111] : memref<40x128xi32, #tpu.memory_space<vmem>> -> memref<1x128xi32, #tpu.memory_space<vmem>>
        %dma_wait3A_113 = tpu.memref_squeeze %dma_wait3A_112 : memref<1x128xi32, #tpu.memory_space<vmem>> -> memref<128xi32, #tpu.memory_space<vmem>>
        %dma_wait3A_114 = arith.constant 0 : i32
        %dma_wait3A_115 = arith.constant 0 : i32
        %dma_wait3A_116 = tpu.memref_slice %arg5[%dma_wait3A_114, %dma_wait3A_115] : memref<10240x128xf32, #tpu.memory_space<vmem_shared>> -> memref<10240x128xf32, #tpu.memory_space<vmem_shared>>
        tpu.wait_indirect_dma semaphore(%run_scoped3A : memref<!tpu.dma_semaphore, #tpu.memory_space<semaphore_mem>>) src(%arg7 : memref<128x128xf32, #tpu.memory_space<vmem>>) dst(%dma_wait3A_116 : memref<10240x128xf32, #tpu.memory_space<vmem_shared>>)
        tpu.yield
      }) : () -> ()
      %add3A_85 = arith.constant 2 : i32
      %add3A_86 = arith.addi %mul3A_79, %add3A_85 : i32
      %lt3A = arith.constant 40 : i32
      %lt3A_87 = arith.cmpi slt, %add3A_86, %lt3A : i32
      %convert_element_type3A = arith.extui %lt3A_87 : i1 to i32
      %cond3A = arith.constant 0 : i32
      %cond3A_88 = arith.cmpi ne, %convert_element_type3A, %cond3A : i32
      scf.if %cond3A_88 {
        %add3A_105 = arith.constant 2 : i32
        %add3A_106 = arith.addi %mul3A_79, %add3A_105 : i32
        %add3A_107 = arith.addi %mul3A_29, %add3A_106 : i32
        %min3A_108 = arith.constant 1249 : i32
        %min3A_109 = arith.minsi %add3A_107, %min3A_108 : i32
        %mul3A_110 = arith.constant 128 : i32
        %mul3A_111 = arith.muli %min3A_109, %mul3A_110 : i32
        %dma_start3A_112 = arith.constant 0 : i32
        %dma_start3A_113 = tpu.memref_slice %arg2[%mul3A_111, %dma_start3A_112] : memref<160000x128xf32, #tpu.memory_space<hbm>> -> memref<128x128xf32, #tpu.memory_space<hbm>>
        %dma_start3A_114 = arith.constant 0 : i32
        %dma_start3A_115 = tpu.memref_slice %arg2[%mul3A_111, %dma_start3A_114] : memref<160000x128xf32, #tpu.memory_space<hbm>> -> memref<128x128xf32, #tpu.memory_space<hbm>>
        tpu.enqueue_dma source(%dma_start3A_115 : memref<128x128xf32, #tpu.memory_space<hbm>>) target(%arg7 : memref<128x128xf32, #tpu.memory_space<vmem>>) target_semaphore(%arg9 : memref<!tpu.dma_semaphore, #tpu.memory_space<semaphore_mem>>)
      } else {
      }
      %dma_wait3A_89 = arith.constant 0 : i32
      %dma_wait3A_90 = arith.constant 0 : i32
      %dma_wait3A_91 = tpu.memref_slice %arg2[%dma_wait3A_89, %dma_wait3A_90] : memref<160000x128xf32, #tpu.memory_space<hbm>> -> memref<128x128xf32, #tpu.memory_space<hbm>>
      %dma_wait3A_92 = arith.constant 0 : i32
      %dma_wait3A_93 = arith.constant 0 : i32
      %dma_wait3A_94 = tpu.memref_slice %arg2[%dma_wait3A_92, %dma_wait3A_93] : memref<160000x128xf32, #tpu.memory_space<hbm>> -> memref<128x128xf32, #tpu.memory_space<hbm>>
      tpu.wait_dma2 semaphore(%arg10 : memref<!tpu.dma_semaphore, #tpu.memory_space<semaphore_mem>>) src(%dma_wait3A_94 : memref<128x128xf32, #tpu.memory_space<hbm>>) dst(%arg8 : memref<128x128xf32, #tpu.memory_space<vmem>>)
      %add3A_95 = arith.constant 1 : i32
      %add3A_96 = arith.addi %mul3A_79, %add3A_95 : i32
      "tpu.region"() ({
        %run_scoped3A = tpu.sem_alloc : memref<!tpu.dma_semaphore, #tpu.memory_space<semaphore_mem>>
        %dma_start3A_105 = arith.constant 0 : i32
        %dma_start3A_106 = tpu.memref_slice %arg6[%add3A_96, %dma_start3A_105] : memref<40x128xi32, #tpu.memory_space<vmem>> -> memref<1x128xi32, #tpu.memory_space<vmem>>
        %dma_start3A_107 = tpu.memref_squeeze %dma_start3A_106 : memref<1x128xi32, #tpu.memory_space<vmem>> -> memref<128xi32, #tpu.memory_space<vmem>>
        %dma_start3A_108 = arith.constant 0 : i32
        %dma_start3A_109 = arith.constant 0 : i32
        %dma_start3A_110 = tpu.memref_slice %arg5[%dma_start3A_108, %dma_start3A_109] : memref<10240x128xf32, #tpu.memory_space<vmem_shared>> -> memref<10240x128xf32, #tpu.memory_space<vmem_shared>>
        tpu.enqueue_indirect_dma source(%arg8 : memref<128x128xf32, #tpu.memory_space<vmem>>) target(%dma_start3A_110 : memref<10240x128xf32, #tpu.memory_space<vmem_shared>>) offsets(%dma_start3A_107 : memref<128xi32, #tpu.memory_space<vmem>>) semaphore(%run_scoped3A : memref<!tpu.dma_semaphore, #tpu.memory_space<semaphore_mem>>) {add = true}
        %dma_wait3A_111 = arith.constant 0 : i32
        %dma_wait3A_112 = tpu.memref_slice %arg6[%add3A_96, %dma_wait3A_111] : memref<40x128xi32, #tpu.memory_space<vmem>> -> memref<1x128xi32, #tpu.memory_space<vmem>>
        %dma_wait3A_113 = tpu.memref_squeeze %dma_wait3A_112 : memref<1x128xi32, #tpu.memory_space<vmem>> -> memref<128xi32, #tpu.memory_space<vmem>>
        %dma_wait3A_114 = arith.constant 0 : i32
        %dma_wait3A_115 = arith.constant 0 : i32
        %dma_wait3A_116 = tpu.memref_slice %arg5[%dma_wait3A_114, %dma_wait3A_115] : memref<10240x128xf32, #tpu.memory_space<vmem_shared>> -> memref<10240x128xf32, #tpu.memory_space<vmem_shared>>
        tpu.wait_indirect_dma semaphore(%run_scoped3A : memref<!tpu.dma_semaphore, #tpu.memory_space<semaphore_mem>>) src(%arg8 : memref<128x128xf32, #tpu.memory_space<vmem>>) dst(%dma_wait3A_116 : memref<10240x128xf32, #tpu.memory_space<vmem_shared>>)
        tpu.yield
      }) : () -> ()
      %add3A_97 = arith.constant 3 : i32
      %add3A_98 = arith.addi %mul3A_79, %add3A_97 : i32
      %lt3A_99 = arith.constant 40 : i32
      %lt3A_100 = arith.cmpi slt, %add3A_98, %lt3A_99 : i32
      %convert_element_type3A_101 = arith.extui %lt3A_100 : i1 to i32
      %cond3A_102 = arith.constant 0 : i32
      %cond3A_103 = arith.cmpi ne, %convert_element_type3A_101, %cond3A_102 : i32
      scf.if %cond3A_103 {
        %add3A_105 = arith.constant 3 : i32
        %add3A_106 = arith.addi %mul3A_79, %add3A_105 : i32
        %add3A_107 = arith.addi %mul3A_29, %add3A_106 : i32
        %min3A_108 = arith.constant 1249 : i32
        %min3A_109 = arith.minsi %add3A_107, %min3A_108 : i32
        %mul3A_110 = arith.constant 128 : i32
        %mul3A_111 = arith.muli %min3A_109, %mul3A_110 : i32
        %dma_start3A_112 = arith.constant 0 : i32
        %dma_start3A_113 = tpu.memref_slice %arg2[%mul3A_111, %dma_start3A_112] : memref<160000x128xf32, #tpu.memory_space<hbm>> -> memref<128x128xf32, #tpu.memory_space<hbm>>
        %dma_start3A_114 = arith.constant 0 : i32
        %dma_start3A_115 = tpu.memref_slice %arg2[%mul3A_111, %dma_start3A_114] : memref<160000x128xf32, #tpu.memory_space<hbm>> -> memref<128x128xf32, #tpu.memory_space<hbm>>
        tpu.enqueue_dma source(%dma_start3A_115 : memref<128x128xf32, #tpu.memory_space<hbm>>) target(%arg8 : memref<128x128xf32, #tpu.memory_space<vmem>>) target_semaphore(%arg10 : memref<!tpu.dma_semaphore, #tpu.memory_space<semaphore_mem>>)
      } else {
      }
      %scan3A_104 = arith.constant 0 : i32
      scf.yield %scan3A_104 : i32
    }
    %scan3A_54 = arith.constant 20 : i32
    %barrier3A_55 = arith.constant 0 : index
    tpu.barrier barrier_id(%barrier3A_55)
    %mul3A_56 = arith.constant 640 : i32
    %mul3A_57 = arith.muli %arg1, %mul3A_56 : i32
    %add3A_58 = arith.constant 0 : i32
    %add3A_59 = arith.addi %mul3A_57, %add3A_58 : i32
    "tpu.region"() ({
      %run_scoped3A = tpu.sem_alloc : memref<!tpu.dma_semaphore, #tpu.memory_space<semaphore_mem>>
      %dma_start3A_76 = arith.constant 0 : i32
      %dma_start3A_77 = tpu.memref_slice %arg5[%add3A_59, %dma_start3A_76] : memref<10240x128xf32, #tpu.memory_space<vmem_shared>> -> memref<128x128xf32, #tpu.memory_space<vmem_shared>>
      %dma_start3A_78 = arith.constant 0 : i32
      %dma_start3A_79 = tpu.memref_slice %arg5[%add3A_59, %dma_start3A_78] : memref<10240x128xf32, #tpu.memory_space<vmem_shared>> -> memref<128x128xf32, #tpu.memory_space<vmem_shared>>
      tpu.enqueue_dma source(%dma_start3A_79 : memref<128x128xf32, #tpu.memory_space<vmem_shared>>) target(%arg7 : memref<128x128xf32, #tpu.memory_space<vmem>>) target_semaphore(%run_scoped3A : memref<!tpu.dma_semaphore, #tpu.memory_space<semaphore_mem>>)
      %dma_wait3A = arith.constant 0 : i32
      %dma_wait3A_80 = tpu.memref_slice %arg5[%add3A_59, %dma_wait3A] : memref<10240x128xf32, #tpu.memory_space<vmem_shared>> -> memref<128x128xf32, #tpu.memory_space<vmem_shared>>
      %dma_wait3A_81 = arith.constant 0 : i32
      %dma_wait3A_82 = tpu.memref_slice %arg5[%add3A_59, %dma_wait3A_81] : memref<10240x128xf32, #tpu.memory_space<vmem_shared>> -> memref<128x128xf32, #tpu.memory_space<vmem_shared>>
      tpu.wait_dma2 semaphore(%run_scoped3A : memref<!tpu.dma_semaphore, #tpu.memory_space<semaphore_mem>>) src(%dma_wait3A_82 : memref<128x128xf32, #tpu.memory_space<vmem_shared>>) dst(%arg7 : memref<128x128xf32, #tpu.memory_space<vmem>>)
      tpu.yield
    }) : () -> ()
    "tpu.region"() ({
      %run_scoped3A = tpu.sem_alloc : memref<!tpu.dma_semaphore, #tpu.memory_space<semaphore_mem>>
      %dma_start3A_76 = arith.constant 0 : i32
      %dma_start3A_77 = tpu.memref_slice %arg4[%arg0, %add3A_59, %dma_start3A_76] : memref<2x10240x128xf32, #tpu.memory_space<hbm>> -> memref<1x128x128xf32, #tpu.memory_space<hbm>>
      %dma_start3A_78 = tpu.memref_squeeze %dma_start3A_77 : memref<1x128x128xf32, #tpu.memory_space<hbm>> -> memref<128x128xf32, #tpu.memory_space<hbm>>
      %dma_start3A_79 = arith.constant 0 : i32
      %dma_start3A_80 = tpu.memref_slice %arg4[%arg0, %add3A_59, %dma_start3A_79] : memref<2x10240x128xf32, #tpu.memory_space<hbm>> -> memref<1x128x128xf32, #tpu.memory_space<hbm>>
      %dma_start3A_81 = tpu.memref_squeeze %dma_start3A_80 : memref<1x128x128xf32, #tpu.memory_space<hbm>> -> memref<128x128xf32, #tpu.memory_space<hbm>>
      tpu.enqueue_dma source(%arg7 : memref<128x128xf32, #tpu.memory_space<vmem>>) target(%dma_start3A_81 : memref<128x128xf32, #tpu.memory_space<hbm>>) target_semaphore(%run_scoped3A : memref<!tpu.dma_semaphore, #tpu.memory_space<semaphore_mem>>)
      %dma_wait3A = arith.constant 0 : i32
      %dma_wait3A_82 = tpu.memref_slice %arg4[%arg0, %add3A_59, %dma_wait3A] : memref<2x10240x128xf32, #tpu.memory_space<hbm>> -> memref<1x128x128xf32, #tpu.memory_space<hbm>>
      %dma_wait3A_83 = tpu.memref_squeeze %dma_wait3A_82 : memref<1x128x128xf32, #tpu.memory_space<hbm>> -> memref<128x128xf32, #tpu.memory_space<hbm>>
      %dma_wait3A_84 = arith.constant 0 : i32
      %dma_wait3A_85 = tpu.memref_slice %arg4[%arg0, %add3A_59, %dma_wait3A_84] : memref<2x10240x128xf32, #tpu.memory_space<hbm>> -> memref<1x128x128xf32, #tpu.memory_space<hbm>>
      %dma_wait3A_86 = tpu.memref_squeeze %dma_wait3A_85 : memref<1x128x128xf32, #tpu.memory_space<hbm>> -> memref<128x128xf32, #tpu.memory_space<hbm>>
      tpu.wait_dma2 semaphore(%run_scoped3A : memref<!tpu.dma_semaphore, #tpu.memory_space<semaphore_mem>>) src(%arg7 : memref<128x128xf32, #tpu.memory_space<vmem>>) dst(%dma_wait3A_86 : memref<128x128xf32, #tpu.memory_space<hbm>>)
      tpu.yield
    }) : () -> ()
    %mul3A_60 = arith.constant 640 : i32
    %mul3A_61 = arith.muli %arg1, %mul3A_60 : i32
    %add3A_62 = arith.constant 128 : i32
    %add3A_63 = arith.addi %mul3A_61, %add3A_62 : i32
    "tpu.region"() ({
      %run_scoped3A = tpu.sem_alloc : memref<!tpu.dma_semaphore, #tpu.memory_space<semaphore_mem>>
      %dma_start3A_76 = arith.constant 0 : i32
      %dma_start3A_77 = tpu.memref_slice %arg5[%add3A_63, %dma_start3A_76] : memref<10240x128xf32, #tpu.memory_space<vmem_shared>> -> memref<128x128xf32, #tpu.memory_space<vmem_shared>>
      %dma_start3A_78 = arith.constant 0 : i32
      %dma_start3A_79 = tpu.memref_slice %arg5[%add3A_63, %dma_start3A_78] : memref<10240x128xf32, #tpu.memory_space<vmem_shared>> -> memref<128x128xf32, #tpu.memory_space<vmem_shared>>
      tpu.enqueue_dma source(%dma_start3A_79 : memref<128x128xf32, #tpu.memory_space<vmem_shared>>) target(%arg7 : memref<128x128xf32, #tpu.memory_space<vmem>>) target_semaphore(%run_scoped3A : memref<!tpu.dma_semaphore, #tpu.memory_space<semaphore_mem>>)
      %dma_wait3A = arith.constant 0 : i32
      %dma_wait3A_80 = tpu.memref_slice %arg5[%add3A_63, %dma_wait3A] : memref<10240x128xf32, #tpu.memory_space<vmem_shared>> -> memref<128x128xf32, #tpu.memory_space<vmem_shared>>
      %dma_wait3A_81 = arith.constant 0 : i32
      %dma_wait3A_82 = tpu.memref_slice %arg5[%add3A_63, %dma_wait3A_81] : memref<10240x128xf32, #tpu.memory_space<vmem_shared>> -> memref<128x128xf32, #tpu.memory_space<vmem_shared>>
      tpu.wait_dma2 semaphore(%run_scoped3A : memref<!tpu.dma_semaphore, #tpu.memory_space<semaphore_mem>>) src(%dma_wait3A_82 : memref<128x128xf32, #tpu.memory_space<vmem_shared>>) dst(%arg7 : memref<128x128xf32, #tpu.memory_space<vmem>>)
      tpu.yield
    }) : () -> ()
    "tpu.region"() ({
      %run_scoped3A = tpu.sem_alloc : memref<!tpu.dma_semaphore, #tpu.memory_space<semaphore_mem>>
      %dma_start3A_76 = arith.constant 0 : i32
      %dma_start3A_77 = tpu.memref_slice %arg4[%arg0, %add3A_63, %dma_start3A_76] : memref<2x10240x128xf32, #tpu.memory_space<hbm>> -> memref<1x128x128xf32, #tpu.memory_space<hbm>>
      %dma_start3A_78 = tpu.memref_squeeze %dma_start3A_77 : memref<1x128x128xf32, #tpu.memory_space<hbm>> -> memref<128x128xf32, #tpu.memory_space<hbm>>
      %dma_start3A_79 = arith.constant 0 : i32
      %dma_start3A_80 = tpu.memref_slice %arg4[%arg0, %add3A_63, %dma_start3A_79] : memref<2x10240x128xf32, #tpu.memory_space<hbm>> -> memref<1x128x128xf32, #tpu.memory_space<hbm>>
      %dma_start3A_81 = tpu.memref_squeeze %dma_start3A_80 : memref<1x128x128xf32, #tpu.memory_space<hbm>> -> memref<128x128xf32, #tpu.memory_space<hbm>>
      tpu.enqueue_dma source(%arg7 : memref<128x128xf32, #tpu.memory_space<vmem>>) target(%dma_start3A_81 : memref<128x128xf32, #tpu.memory_space<hbm>>) target_semaphore(%run_scoped3A : memref<!tpu.dma_semaphore, #tpu.memory_space<semaphore_mem>>)
      %dma_wait3A = arith.constant 0 : i32
      %dma_wait3A_82 = tpu.memref_slice %arg4[%arg0, %add3A_63, %dma_wait3A] : memref<2x10240x128xf32, #tpu.memory_space<hbm>> -> memref<1x128x128xf32, #tpu.memory_space<hbm>>
      %dma_wait3A_83 = tpu.memref_squeeze %dma_wait3A_82 : memref<1x128x128xf32, #tpu.memory_space<hbm>> -> memref<128x128xf32, #tpu.memory_space<hbm>>
      %dma_wait3A_84 = arith.constant 0 : i32
      %dma_wait3A_85 = tpu.memref_slice %arg4[%arg0, %add3A_63, %dma_wait3A_84] : memref<2x10240x128xf32, #tpu.memory_space<hbm>> -> memref<1x128x128xf32, #tpu.memory_space<hbm>>
      %dma_wait3A_86 = tpu.memref_squeeze %dma_wait3A_85 : memref<1x128x128xf32, #tpu.memory_space<hbm>> -> memref<128x128xf32, #tpu.memory_space<hbm>>
      tpu.wait_dma2 semaphore(%run_scoped3A : memref<!tpu.dma_semaphore, #tpu.memory_space<semaphore_mem>>) src(%arg7 : memref<128x128xf32, #tpu.memory_space<vmem>>) dst(%dma_wait3A_86 : memref<128x128xf32, #tpu.memory_space<hbm>>)
      tpu.yield
    }) : () -> ()
    %mul3A_64 = arith.constant 640 : i32
    %mul3A_65 = arith.muli %arg1, %mul3A_64 : i32
    %add3A_66 = arith.constant 256 : i32
    %add3A_67 = arith.addi %mul3A_65, %add3A_66 : i32
    "tpu.region"() ({
      %run_scoped3A = tpu.sem_alloc : memref<!tpu.dma_semaphore, #tpu.memory_space<semaphore_mem>>
      %dma_start3A_76 = arith.constant 0 : i32
      %dma_start3A_77 = tpu.memref_slice %arg5[%add3A_67, %dma_start3A_76] : memref<10240x128xf32, #tpu.memory_space<vmem_shared>> -> memref<128x128xf32, #tpu.memory_space<vmem_shared>>
      %dma_start3A_78 = arith.constant 0 : i32
      %dma_start3A_79 = tpu.memref_slice %arg5[%add3A_67, %dma_start3A_78] : memref<10240x128xf32, #tpu.memory_space<vmem_shared>> -> memref<128x128xf32, #tpu.memory_space<vmem_shared>>
      tpu.enqueue_dma source(%dma_start3A_79 : memref<128x128xf32, #tpu.memory_space<vmem_shared>>) target(%arg7 : memref<128x128xf32, #tpu.memory_space<vmem>>) target_semaphore(%run_scoped3A : memref<!tpu.dma_semaphore, #tpu.memory_space<semaphore_mem>>)
      %dma_wait3A = arith.constant 0 : i32
      %dma_wait3A_80 = tpu.memref_slice %arg5[%add3A_67, %dma_wait3A] : memref<10240x128xf32, #tpu.memory_space<vmem_shared>> -> memref<128x128xf32, #tpu.memory_space<vmem_shared>>
      %dma_wait3A_81 = arith.constant 0 : i32
      %dma_wait3A_82 = tpu.memref_slice %arg5[%add3A_67, %dma_wait3A_81] : memref<10240x128xf32, #tpu.memory_space<vmem_shared>> -> memref<128x128xf32, #tpu.memory_space<vmem_shared>>
      tpu.wait_dma2 semaphore(%run_scoped3A : memref<!tpu.dma_semaphore, #tpu.memory_space<semaphore_mem>>) src(%dma_wait3A_82 : memref<128x128xf32, #tpu.memory_space<vmem_shared>>) dst(%arg7 : memref<128x128xf32, #tpu.memory_space<vmem>>)
      tpu.yield
    }) : () -> ()
    "tpu.region"() ({
      %run_scoped3A = tpu.sem_alloc : memref<!tpu.dma_semaphore, #tpu.memory_space<semaphore_mem>>
      %dma_start3A_76 = arith.constant 0 : i32
      %dma_start3A_77 = tpu.memref_slice %arg4[%arg0, %add3A_67, %dma_start3A_76] : memref<2x10240x128xf32, #tpu.memory_space<hbm>> -> memref<1x128x128xf32, #tpu.memory_space<hbm>>
      %dma_start3A_78 = tpu.memref_squeeze %dma_start3A_77 : memref<1x128x128xf32, #tpu.memory_space<hbm>> -> memref<128x128xf32, #tpu.memory_space<hbm>>
      %dma_start3A_79 = arith.constant 0 : i32
      %dma_start3A_80 = tpu.memref_slice %arg4[%arg0, %add3A_67, %dma_start3A_79] : memref<2x10240x128xf32, #tpu.memory_space<hbm>> -> memref<1x128x128xf32, #tpu.memory_space<hbm>>
      %dma_start3A_81 = tpu.memref_squeeze %dma_start3A_80 : memref<1x128x128xf32, #tpu.memory_space<hbm>> -> memref<128x128xf32, #tpu.memory_space<hbm>>
      tpu.enqueue_dma source(%arg7 : memref<128x128xf32, #tpu.memory_space<vmem>>) target(%dma_start3A_81 : memref<128x128xf32, #tpu.memory_space<hbm>>) target_semaphore(%run_scoped3A : memref<!tpu.dma_semaphore, #tpu.memory_space<semaphore_mem>>)
      %dma_wait3A = arith.constant 0 : i32
      %dma_wait3A_82 = tpu.memref_slice %arg4[%arg0, %add3A_67, %dma_wait3A] : memref<2x10240x128xf32, #tpu.memory_space<hbm>> -> memref<1x128x128xf32, #tpu.memory_space<hbm>>
      %dma_wait3A_83 = tpu.memref_squeeze %dma_wait3A_82 : memref<1x128x128xf32, #tpu.memory_space<hbm>> -> memref<128x128xf32, #tpu.memory_space<hbm>>
      %dma_wait3A_84 = arith.constant 0 : i32
      %dma_wait3A_85 = tpu.memref_slice %arg4[%arg0, %add3A_67, %dma_wait3A_84] : memref<2x10240x128xf32, #tpu.memory_space<hbm>> -> memref<1x128x128xf32, #tpu.memory_space<hbm>>
      %dma_wait3A_86 = tpu.memref_squeeze %dma_wait3A_85 : memref<1x128x128xf32, #tpu.memory_space<hbm>> -> memref<128x128xf32, #tpu.memory_space<hbm>>
      tpu.wait_dma2 semaphore(%run_scoped3A : memref<!tpu.dma_semaphore, #tpu.memory_space<semaphore_mem>>) src(%arg7 : memref<128x128xf32, #tpu.memory_space<vmem>>) dst(%dma_wait3A_86 : memref<128x128xf32, #tpu.memory_space<hbm>>)
      tpu.yield
    }) : () -> ()
    %mul3A_68 = arith.constant 640 : i32
    %mul3A_69 = arith.muli %arg1, %mul3A_68 : i32
    %add3A_70 = arith.constant 384 : i32
    %add3A_71 = arith.addi %mul3A_69, %add3A_70 : i32
    "tpu.region"() ({
      %run_scoped3A = tpu.sem_alloc : memref<!tpu.dma_semaphore, #tpu.memory_space<semaphore_mem>>
      %dma_start3A_76 = arith.constant 0 : i32
      %dma_start3A_77 = tpu.memref_slice %arg5[%add3A_71, %dma_start3A_76] : memref<10240x128xf32, #tpu.memory_space<vmem_shared>> -> memref<128x128xf32, #tpu.memory_space<vmem_shared>>
      %dma_start3A_78 = arith.constant 0 : i32
      %dma_start3A_79 = tpu.memref_slice %arg5[%add3A_71, %dma_start3A_78] : memref<10240x128xf32, #tpu.memory_space<vmem_shared>> -> memref<128x128xf32, #tpu.memory_space<vmem_shared>>
      tpu.enqueue_dma source(%dma_start3A_79 : memref<128x128xf32, #tpu.memory_space<vmem_shared>>) target(%arg7 : memref<128x128xf32, #tpu.memory_space<vmem>>) target_semaphore(%run_scoped3A : memref<!tpu.dma_semaphore, #tpu.memory_space<semaphore_mem>>)
      %dma_wait3A = arith.constant 0 : i32
      %dma_wait3A_80 = tpu.memref_slice %arg5[%add3A_71, %dma_wait3A] : memref<10240x128xf32, #tpu.memory_space<vmem_shared>> -> memref<128x128xf32, #tpu.memory_space<vmem_shared>>
      %dma_wait3A_81 = arith.constant 0 : i32
      %dma_wait3A_82 = tpu.memref_slice %arg5[%add3A_71, %dma_wait3A_81] : memref<10240x128xf32, #tpu.memory_space<vmem_shared>> -> memref<128x128xf32, #tpu.memory_space<vmem_shared>>
      tpu.wait_dma2 semaphore(%run_scoped3A : memref<!tpu.dma_semaphore, #tpu.memory_space<semaphore_mem>>) src(%dma_wait3A_82 : memref<128x128xf32, #tpu.memory_space<vmem_shared>>) dst(%arg7 : memref<128x128xf32, #tpu.memory_space<vmem>>)
      tpu.yield
    }) : () -> ()
    "tpu.region"() ({
      %run_scoped3A = tpu.sem_alloc : memref<!tpu.dma_semaphore, #tpu.memory_space<semaphore_mem>>
      %dma_start3A_76 = arith.constant 0 : i32
      %dma_start3A_77 = tpu.memref_slice %arg4[%arg0, %add3A_71, %dma_start3A_76] : memref<2x10240x128xf32, #tpu.memory_space<hbm>> -> memref<1x128x128xf32, #tpu.memory_space<hbm>>
      %dma_start3A_78 = tpu.memref_squeeze %dma_start3A_77 : memref<1x128x128xf32, #tpu.memory_space<hbm>> -> memref<128x128xf32, #tpu.memory_space<hbm>>
      %dma_start3A_79 = arith.constant 0 : i32
      %dma_start3A_80 = tpu.memref_slice %arg4[%arg0, %add3A_71, %dma_start3A_79] : memref<2x10240x128xf32, #tpu.memory_space<hbm>> -> memref<1x128x128xf32, #tpu.memory_space<hbm>>
      %dma_start3A_81 = tpu.memref_squeeze %dma_start3A_80 : memref<1x128x128xf32, #tpu.memory_space<hbm>> -> memref<128x128xf32, #tpu.memory_space<hbm>>
      tpu.enqueue_dma source(%arg7 : memref<128x128xf32, #tpu.memory_space<vmem>>) target(%dma_start3A_81 : memref<128x128xf32, #tpu.memory_space<hbm>>) target_semaphore(%run_scoped3A : memref<!tpu.dma_semaphore, #tpu.memory_space<semaphore_mem>>)
      %dma_wait3A = arith.constant 0 : i32
      %dma_wait3A_82 = tpu.memref_slice %arg4[%arg0, %add3A_71, %dma_wait3A] : memref<2x10240x128xf32, #tpu.memory_space<hbm>> -> memref<1x128x128xf32, #tpu.memory_space<hbm>>
      %dma_wait3A_83 = tpu.memref_squeeze %dma_wait3A_82 : memref<1x128x128xf32, #tpu.memory_space<hbm>> -> memref<128x128xf32, #tpu.memory_space<hbm>>
      %dma_wait3A_84 = arith.constant 0 : i32
      %dma_wait3A_85 = tpu.memref_slice %arg4[%arg0, %add3A_71, %dma_wait3A_84] : memref<2x10240x128xf32, #tpu.memory_space<hbm>> -> memref<1x128x128xf32, #tpu.memory_space<hbm>>
      %dma_wait3A_86 = tpu.memref_squeeze %dma_wait3A_85 : memref<1x128x128xf32, #tpu.memory_space<hbm>> -> memref<128x128xf32, #tpu.memory_space<hbm>>
      tpu.wait_dma2 semaphore(%run_scoped3A : memref<!tpu.dma_semaphore, #tpu.memory_space<semaphore_mem>>) src(%arg7 : memref<128x128xf32, #tpu.memory_space<vmem>>) dst(%dma_wait3A_86 : memref<128x128xf32, #tpu.memory_space<hbm>>)
      tpu.yield
    }) : () -> ()
    %mul3A_72 = arith.constant 640 : i32
    %mul3A_73 = arith.muli %arg1, %mul3A_72 : i32
    %add3A_74 = arith.constant 512 : i32
    %add3A_75 = arith.addi %mul3A_73, %add3A_74 : i32
    "tpu.region"() ({
      %run_scoped3A = tpu.sem_alloc : memref<!tpu.dma_semaphore, #tpu.memory_space<semaphore_mem>>
      %dma_start3A_76 = arith.constant 0 : i32
      %dma_start3A_77 = tpu.memref_slice %arg5[%add3A_75, %dma_start3A_76] : memref<10240x128xf32, #tpu.memory_space<vmem_shared>> -> memref<128x128xf32, #tpu.memory_space<vmem_shared>>
      %dma_start3A_78 = arith.constant 0 : i32
      %dma_start3A_79 = tpu.memref_slice %arg5[%add3A_75, %dma_start3A_78] : memref<10240x128xf32, #tpu.memory_space<vmem_shared>> -> memref<128x128xf32, #tpu.memory_space<vmem_shared>>
      tpu.enqueue_dma source(%dma_start3A_79 : memref<128x128xf32, #tpu.memory_space<vmem_shared>>) target(%arg7 : memref<128x128xf32, #tpu.memory_space<vmem>>) target_semaphore(%run_scoped3A : memref<!tpu.dma_semaphore, #tpu.memory_space<semaphore_mem>>)
      %dma_wait3A = arith.constant 0 : i32
      %dma_wait3A_80 = tpu.memref_slice %arg5[%add3A_75, %dma_wait3A] : memref<10240x128xf32, #tpu.memory_space<vmem_shared>> -> memref<128x128xf32, #tpu.memory_space<vmem_shared>>
      %dma_wait3A_81 = arith.constant 0 : i32
      %dma_wait3A_82 = tpu.memref_slice %arg5[%add3A_75, %dma_wait3A_81] : memref<10240x128xf32, #tpu.memory_space<vmem_shared>> -> memref<128x128xf32, #tpu.memory_space<vmem_shared>>
      tpu.wait_dma2 semaphore(%run_scoped3A : memref<!tpu.dma_semaphore, #tpu.memory_space<semaphore_mem>>) src(%dma_wait3A_82 : memref<128x128xf32, #tpu.memory_space<vmem_shared>>) dst(%arg7 : memref<128x128xf32, #tpu.memory_space<vmem>>)
      tpu.yield
    }) : () -> ()
    "tpu.region"() ({
      %run_scoped3A = tpu.sem_alloc : memref<!tpu.dma_semaphore, #tpu.memory_space<semaphore_mem>>
      %dma_start3A_76 = arith.constant 0 : i32
      %dma_start3A_77 = tpu.memref_slice %arg4[%arg0, %add3A_75, %dma_start3A_76] : memref<2x10240x128xf32, #tpu.memory_space<hbm>> -> memref<1x128x128xf32, #tpu.memory_space<hbm>>
      %dma_start3A_78 = tpu.memref_squeeze %dma_start3A_77 : memref<1x128x128xf32, #tpu.memory_space<hbm>> -> memref<128x128xf32, #tpu.memory_space<hbm>>
      %dma_start3A_79 = arith.constant 0 : i32
      %dma_start3A_80 = tpu.memref_slice %arg4[%arg0, %add3A_75, %dma_start3A_79] : memref<2x10240x128xf32, #tpu.memory_space<hbm>> -> memref<1x128x128xf32, #tpu.memory_space<hbm>>
      %dma_start3A_81 = tpu.memref_squeeze %dma_start3A_80 : memref<1x128x128xf32, #tpu.memory_space<hbm>> -> memref<128x128xf32, #tpu.memory_space<hbm>>
      tpu.enqueue_dma source(%arg7 : memref<128x128xf32, #tpu.memory_space<vmem>>) target(%dma_start3A_81 : memref<128x128xf32, #tpu.memory_space<hbm>>) target_semaphore(%run_scoped3A : memref<!tpu.dma_semaphore, #tpu.memory_space<semaphore_mem>>)
      %dma_wait3A = arith.constant 0 : i32
      %dma_wait3A_82 = tpu.memref_slice %arg4[%arg0, %add3A_75, %dma_wait3A] : memref<2x10240x128xf32, #tpu.memory_space<hbm>> -> memref<1x128x128xf32, #tpu.memory_space<hbm>>
      %dma_wait3A_83 = tpu.memref_squeeze %dma_wait3A_82 : memref<1x128x128xf32, #tpu.memory_space<hbm>> -> memref<128x128xf32, #tpu.memory_space<hbm>>
      %dma_wait3A_84 = arith.constant 0 : i32
      %dma_wait3A_85 = tpu.memref_slice %arg4[%arg0, %add3A_75, %dma_wait3A_84] : memref<2x10240x128xf32, #tpu.memory_space<hbm>> -> memref<1x128x128xf32, #tpu.memory_space<hbm>>
      %dma_wait3A_86 = tpu.memref_squeeze %dma_wait3A_85 : memref<1x128x128xf32, #tpu.memory_space<hbm>> -> memref<128x128xf32, #tpu.memory_space<hbm>>
      tpu.wait_dma2 semaphore(%run_scoped3A : memref<!tpu.dma_semaphore, #tpu.memory_space<semaphore_mem>>) src(%arg7 : memref<128x128xf32, #tpu.memory_space<vmem>>) dst(%dma_wait3A_86 : memref<128x128xf32, #tpu.memory_space<hbm>>)
      tpu.yield
    }) : () -> ()
    return
  }
}

module attributes {stable_mosaic.version = 14 : i64} {
  func.func @_pre_body(%arg0: i32, %arg1: memref<1000x256xf32, #tpu.memory_space<vmem>>, %arg2: memref<256x768xbf16, #tpu.memory_space<vmem>>, %arg3: memref<1x32xf32, #tpu.memory_space<vmem>>, %arg4: memref<32x512xf32, #tpu.memory_space<vmem>>, %arg5: memref<1x512xf32, #tpu.memory_space<vmem>>, %arg6: memref<1000x128xi32, #tpu.memory_space<vmem>>, %arg7: memref<1000x128xi32, #tpu.memory_space<vmem>>, %arg8: memref<1000x256xf32, #tpu.memory_space<vmem>>, %arg9: memref<1x256xf32, #tpu.memory_space<vmem>>, %arg10: memref<1x256xf32, #tpu.memory_space<vmem>>) attributes {dimension_semantics = [#tpu.dimension_semantics<arbitrary>], iteration_bounds = array<i64: 10>, scalar_prefetch = 0 : i64, scratch_operands = 0 : i64, tpu.core_type = #tpu.core_type<tc>, window_params = [{transform_indices = @transform_0, window_bounds = array<i64: 1000, 256>}, {pipeline_mode = #tpu.pipeline_mode<synchronous>, transform_indices = @transform_1, window_bounds = array<i64: 256, 768>}, {pipeline_mode = #tpu.pipeline_mode<synchronous>, transform_indices = @transform_2, window_bounds = array<i64: 1, 32>}, {pipeline_mode = #tpu.pipeline_mode<synchronous>, transform_indices = @transform_3, window_bounds = array<i64: 32, 512>}, {pipeline_mode = #tpu.pipeline_mode<synchronous>, transform_indices = @transform_4, window_bounds = array<i64: 1, 512>}, {transform_indices = @transform_5, window_bounds = array<i64: 1000, 128>}, {transform_indices = @transform_6, window_bounds = array<i64: 1000, 128>}, {transform_indices = @transform_7, window_bounds = array<i64: 1000, 256>}, {pipeline_mode = #tpu.pipeline_mode<synchronous>, transform_indices = @transform_8, window_bounds = array<i64: 1, 256>}, {pipeline_mode = #tpu.pipeline_mode<synchronous>, transform_indices = @transform_9, window_bounds = array<i64: 1, 256>}]} {
    %get3A = arith.constant 0 : index
    %get3A_0 = arith.constant 0 : index
    %get3A_1 = vector.load %arg1[%get3A, %get3A_0] : memref<1000x256xf32, #tpu.memory_space<vmem>>, vector<1000x256xf32>
    %convert_element_type3A = arith.truncf %get3A_1 : vector<1000x256xf32> to vector<1000x256xbf16>
    %get3A_2 = arith.constant 0 : index
    %get3A_3 = arith.constant 0 : index
    %get3A_4 = vector.load %arg2[%get3A_2, %get3A_3] : memref<256x768xbf16, #tpu.memory_space<vmem>>, vector<256x768xbf16>
    %dot_general3A = arith.constant dense<0.000000e+00> : vector<1000x768xf32>
    %dot_general3A_5 = tpu.matmul %convert_element_type3A, %get3A_4, %dot_general3A {dimension_numbers = #tpu.dot_dimension_numbers<[1], [0], [0], [1], [0, 0, 1, 1], [], []>, transpose_lhs_hint = false} : vector<1000x256xbf16>, vector<256x768xbf16>, vector<1000x768xf32> -> vector<1000x768xf32>
    %slice3A = vector.extract_strided_slice %dot_general3A_5 {offsets = [0, 0], sizes = [1000, 256], strides = [1, 1]} : vector<1000x768xf32> to vector<1000x256xf32>
    %bitcast_convert_type3A = tpu.bitcast %slice3A : vector<1000x256xf32> -> vector<1000x256xi32>
    %slice3A_6 = vector.extract_strided_slice %bitcast_convert_type3A {offsets = [0, 0], sizes = [1000, 128], strides = [1, 1]} : vector<1000x256xi32> to vector<1000x128xi32>
    %add3A = arith.constant 32767 : i32
    %add3A_7 = vector.broadcast %add3A : i32 to vector<1000x128xi32>
    %add3A_8 = arith.addi %slice3A_6, %add3A_7 : vector<1000x128xi32>
    %shift_right_logical3A = arith.constant 16 : i32
    %shift_right_logical3A_9 = vector.broadcast %shift_right_logical3A : i32 to vector<1000x128xi32>
    %shift_right_logical3A_10 = arith.shrui %slice3A_6, %shift_right_logical3A_9 : vector<1000x128xi32>
    %and3A = arith.constant 1 : i32
    %and3A_11 = vector.broadcast %and3A : i32 to vector<1000x128xi32>
    %and3A_12 = arith.andi %shift_right_logical3A_10, %and3A_11 : vector<1000x128xi32>
    %add3A_13 = arith.addi %add3A_8, %and3A_12 : vector<1000x128xi32>
    %shift_right_logical3A_14 = arith.constant 16 : i32
    %shift_right_logical3A_15 = vector.broadcast %shift_right_logical3A_14 : i32 to vector<1000x128xi32>
    %shift_right_logical3A_16 = arith.shrui %add3A_13, %shift_right_logical3A_15 : vector<1000x128xi32>
    %slice3A_17 = vector.extract_strided_slice %bitcast_convert_type3A {offsets = [0, 128], sizes = [1000, 128], strides = [1, 1]} : vector<1000x256xi32> to vector<1000x128xi32>
    %add3A_18 = arith.constant 32767 : i32
    %add3A_19 = vector.broadcast %add3A_18 : i32 to vector<1000x128xi32>
    %add3A_20 = arith.addi %slice3A_17, %add3A_19 : vector<1000x128xi32>
    %shift_right_logical3A_21 = arith.constant 16 : i32
    %shift_right_logical3A_22 = vector.broadcast %shift_right_logical3A_21 : i32 to vector<1000x128xi32>
    %shift_right_logical3A_23 = arith.shrui %slice3A_17, %shift_right_logical3A_22 : vector<1000x128xi32>
    %and3A_24 = arith.constant 1 : i32
    %and3A_25 = vector.broadcast %and3A_24 : i32 to vector<1000x128xi32>
    %and3A_26 = arith.andi %shift_right_logical3A_23, %and3A_25 : vector<1000x128xi32>
    %add3A_27 = arith.addi %add3A_20, %and3A_26 : vector<1000x128xi32>
    %shift_right_logical3A_28 = arith.constant 16 : i32
    %shift_right_logical3A_29 = vector.broadcast %shift_right_logical3A_28 : i32 to vector<1000x128xi32>
    %shift_right_logical3A_30 = arith.shrui %add3A_27, %shift_right_logical3A_29 : vector<1000x128xi32>
    %shift_left3A = arith.constant 16 : i32
    %shift_left3A_31 = vector.broadcast %shift_left3A : i32 to vector<1000x128xi32>
    %shift_left3A_32 = arith.shli %shift_right_logical3A_30, %shift_left3A_31 : vector<1000x128xi32>
    %or3A = arith.ori %shift_right_logical3A_16, %shift_left3A_32 : vector<1000x128xi32>
    %swap3A = arith.constant 0 : index
    %swap3A_33 = arith.constant 0 : index
    %swap3A_34 = vector.load %arg6[%swap3A, %swap3A_33] : memref<1000x128xi32, #tpu.memory_space<vmem>>, vector<1000x128xi32>
    tpu.vector_store %arg6[%swap3A, %swap3A_33], %or3A {strides = array<i32>} : memref<1000x128xi32, #tpu.memory_space<vmem>>, vector<1000x128xi32>,
    %slice3A_35 = vector.extract_strided_slice %dot_general3A_5 {offsets = [0, 256], sizes = [1000, 256], strides = [1, 1]} : vector<1000x768xf32> to vector<1000x256xf32>
    %bitcast_convert_type3A_36 = tpu.bitcast %slice3A_35 : vector<1000x256xf32> -> vector<1000x256xi32>
    %slice3A_37 = vector.extract_strided_slice %bitcast_convert_type3A_36 {offsets = [0, 0], sizes = [1000, 128], strides = [1, 1]} : vector<1000x256xi32> to vector<1000x128xi32>
    %add3A_38 = arith.constant 32767 : i32
    %add3A_39 = vector.broadcast %add3A_38 : i32 to vector<1000x128xi32>
    %add3A_40 = arith.addi %slice3A_37, %add3A_39 : vector<1000x128xi32>
    %shift_right_logical3A_41 = arith.constant 16 : i32
    %shift_right_logical3A_42 = vector.broadcast %shift_right_logical3A_41 : i32 to vector<1000x128xi32>
    %shift_right_logical3A_43 = arith.shrui %slice3A_37, %shift_right_logical3A_42 : vector<1000x128xi32>
    %and3A_44 = arith.constant 1 : i32
    %and3A_45 = vector.broadcast %and3A_44 : i32 to vector<1000x128xi32>
    %and3A_46 = arith.andi %shift_right_logical3A_43, %and3A_45 : vector<1000x128xi32>
    %add3A_47 = arith.addi %add3A_40, %and3A_46 : vector<1000x128xi32>
    %shift_right_logical3A_48 = arith.constant 16 : i32
    %shift_right_logical3A_49 = vector.broadcast %shift_right_logical3A_48 : i32 to vector<1000x128xi32>
    %shift_right_logical3A_50 = arith.shrui %add3A_47, %shift_right_logical3A_49 : vector<1000x128xi32>
    %slice3A_51 = vector.extract_strided_slice %bitcast_convert_type3A_36 {offsets = [0, 128], sizes = [1000, 128], strides = [1, 1]} : vector<1000x256xi32> to vector<1000x128xi32>
    %add3A_52 = arith.constant 32767 : i32
    %add3A_53 = vector.broadcast %add3A_52 : i32 to vector<1000x128xi32>
    %add3A_54 = arith.addi %slice3A_51, %add3A_53 : vector<1000x128xi32>
    %shift_right_logical3A_55 = arith.constant 16 : i32
    %shift_right_logical3A_56 = vector.broadcast %shift_right_logical3A_55 : i32 to vector<1000x128xi32>
    %shift_right_logical3A_57 = arith.shrui %slice3A_51, %shift_right_logical3A_56 : vector<1000x128xi32>
    %and3A_58 = arith.constant 1 : i32
    %and3A_59 = vector.broadcast %and3A_58 : i32 to vector<1000x128xi32>
    %and3A_60 = arith.andi %shift_right_logical3A_57, %and3A_59 : vector<1000x128xi32>
    %add3A_61 = arith.addi %add3A_54, %and3A_60 : vector<1000x128xi32>
    %shift_right_logical3A_62 = arith.constant 16 : i32
    %shift_right_logical3A_63 = vector.broadcast %shift_right_logical3A_62 : i32 to vector<1000x128xi32>
    %shift_right_logical3A_64 = arith.shrui %add3A_61, %shift_right_logical3A_63 : vector<1000x128xi32>
    %shift_left3A_65 = arith.constant 16 : i32
    %shift_left3A_66 = vector.broadcast %shift_left3A_65 : i32 to vector<1000x128xi32>
    %shift_left3A_67 = arith.shli %shift_right_logical3A_64, %shift_left3A_66 : vector<1000x128xi32>
    %or3A_68 = arith.ori %shift_right_logical3A_50, %shift_left3A_67 : vector<1000x128xi32>
    %swap3A_69 = arith.constant 0 : index
    %swap3A_70 = arith.constant 0 : index
    %swap3A_71 = vector.load %arg7[%swap3A_69, %swap3A_70] : memref<1000x128xi32, #tpu.memory_space<vmem>>, vector<1000x128xi32>
    tpu.vector_store %arg7[%swap3A_69, %swap3A_70], %or3A_68 {strides = array<i32>} : memref<1000x128xi32, #tpu.memory_space<vmem>>, vector<1000x128xi32>,
    %slice3A_72 = vector.extract_strided_slice %dot_general3A_5 {offsets = [0, 512], sizes = [1000, 256], strides = [1, 1]} : vector<1000x768xf32> to vector<1000x256xf32>
    %swap3A_73 = arith.constant 0 : index
    %swap3A_74 = arith.constant 0 : index
    %swap3A_75 = vector.load %arg8[%swap3A_73, %swap3A_74] : memref<1000x256xf32, #tpu.memory_space<vmem>>, vector<1000x256xf32>
    tpu.vector_store %arg8[%swap3A_73, %swap3A_74], %slice3A_72 {strides = array<i32>} : memref<1000x256xf32, #tpu.memory_space<vmem>>, vector<1000x256xf32>,
    %eq3A = arith.constant 0 : i32
    %eq3A_76 = arith.cmpi eq, %arg0, %eq3A : i32
    %convert_element_type3A_77 = arith.extui %eq3A_76 : i1 to i32
    %cond3A = arith.constant 0 : i32
    %cond3A_78 = arith.cmpi ne, %convert_element_type3A_77, %cond3A : i32
    scf.if %cond3A_78 {
      %get3A_79 = arith.constant 0 : index
      %get3A_80 = arith.constant 0 : index
      %get3A_81 = vector.load %arg3[%get3A_79, %get3A_80] : memref<1x32xf32, #tpu.memory_space<vmem>>, vector<1x32xf32>
      %get3A_82 = arith.constant 0 : index
      %get3A_83 = arith.constant 0 : index
      %get3A_84 = vector.load %arg4[%get3A_82, %get3A_83] : memref<32x512xf32, #tpu.memory_space<vmem>>, vector<32x512xf32>
      %dot_general3A_85 = arith.constant dense<0.000000e+00> : vector<1x512xf32>
      %dot_general3A_86 = tpu.matmul %get3A_81, %get3A_84, %dot_general3A_85 {dimension_numbers = #tpu.dot_dimension_numbers<[1], [0], [0], [1], [0, 0, 1, 1], [], []>, transpose_lhs_hint = false} : vector<1x32xf32>, vector<32x512xf32>, vector<1x512xf32> -> vector<1x512xf32>
      %get3A_87 = arith.constant 0 : index
      %get3A_88 = arith.constant 0 : index
      %get3A_89 = vector.load %arg5[%get3A_87, %get3A_88] : memref<1x512xf32, #tpu.memory_space<vmem>>, vector<1x512xf32>
      %add3A_90 = arith.addf %dot_general3A_86, %get3A_89 : vector<1x512xf32>
      %slice3A_91 = vector.extract_strided_slice %add3A_90 {offsets = [0, 0], sizes = [1, 256], strides = [1, 1]} : vector<1x512xf32> to vector<1x256xf32>
      %swap3A_92 = arith.constant 0 : index
      %swap3A_93 = arith.constant 0 : index
      %swap3A_94 = vector.load %arg9[%swap3A_92, %swap3A_93] : memref<1x256xf32, #tpu.memory_space<vmem>>, vector<1x256xf32>
      tpu.vector_store %arg9[%swap3A_92, %swap3A_93], %slice3A_91 {strides = array<i32>} : memref<1x256xf32, #tpu.memory_space<vmem>>, vector<1x256xf32>,
      %slice3A_95 = vector.extract_strided_slice %add3A_90 {offsets = [0, 256], sizes = [1, 256], strides = [1, 1]} : vector<1x512xf32> to vector<1x256xf32>
      %swap3A_96 = arith.constant 0 : index
      %swap3A_97 = arith.constant 0 : index
      %swap3A_98 = vector.load %arg10[%swap3A_96, %swap3A_97] : memref<1x256xf32, #tpu.memory_space<vmem>>, vector<1x256xf32>
      tpu.vector_store %arg10[%swap3A_96, %swap3A_97], %slice3A_95 {strides = array<i32>} : memref<1x256xf32, #tpu.memory_space<vmem>>, vector<1x256xf32>,
    } else {
    }
    return
  }
  func.func @transform_0(%arg0: i32) -> (i32, i32) {
    %c0_i32 = arith.constant 0 : i32
    %c0_i32_0 = arith.constant 0 : i32
    return %arg0, %c0_i32 : i32, i32
  }
  func.func @transform_1(%arg0: i32) -> (i32, i32) {
    %c0_i32 = arith.constant 0 : i32
    %c0_i32_0 = arith.constant 0 : i32
    %c0_i32_1 = arith.constant 0 : i32
    return %c0_i32, %c0_i32_0 : i32, i32
  }
  func.func @transform_2(%arg0: i32) -> (i32, i32) {
    %c0_i32 = arith.constant 0 : i32
    %c0_i32_0 = arith.constant 0 : i32
    %c0_i32_1 = arith.constant 0 : i32
    return %c0_i32, %c0_i32_0 : i32, i32
  }
  func.func @transform_3(%arg0: i32) -> (i32, i32) {
    %c0_i32 = arith.constant 0 : i32
    %c0_i32_0 = arith.constant 0 : i32
    %c0_i32_1 = arith.constant 0 : i32
    return %c0_i32, %c0_i32_0 : i32, i32
  }
  func.func @transform_4(%arg0: i32) -> (i32, i32) {
    %c0_i32 = arith.constant 0 : i32
    %c0_i32_0 = arith.constant 0 : i32
    %c0_i32_1 = arith.constant 0 : i32
    return %c0_i32, %c0_i32_0 : i32, i32
  }
  func.func @transform_5(%arg0: i32) -> (i32, i32) {
    %c0_i32 = arith.constant 0 : i32
    %c0_i32_0 = arith.constant 0 : i32
    return %arg0, %c0_i32 : i32, i32
  }
  func.func @transform_6(%arg0: i32) -> (i32, i32) {
    %c0_i32 = arith.constant 0 : i32
    %c0_i32_0 = arith.constant 0 : i32
    return %arg0, %c0_i32 : i32, i32
  }
  func.func @transform_7(%arg0: i32) -> (i32, i32) {
    %c0_i32 = arith.constant 0 : i32
    %c0_i32_0 = arith.constant 0 : i32
    return %arg0, %c0_i32 : i32, i32
  }
  func.func @transform_8(%arg0: i32) -> (i32, i32) {
    %c0_i32 = arith.constant 0 : i32
    %c0_i32_0 = arith.constant 0 : i32
    %c0_i32_1 = arith.constant 0 : i32
    return %c0_i32, %c0_i32_0 : i32, i32
  }
  func.func @transform_9(%arg0: i32) -> (i32, i32) {
    %c0_i32 = arith.constant 0 : i32
    %c0_i32_0 = arith.constant 0 : i32
    %c0_i32_1 = arith.constant 0 : i32
    return %c0_i32, %c0_i32_0 : i32, i32
  }
}

module attributes {stable_mosaic.version = 14 : i64} {
  func.func @_edge_body(%arg0: i32, %arg1: memref<4000x128xi32, #tpu.memory_space<vmem>>, %arg2: memref<4000x128xi32, #tpu.memory_space<vmem>>, %arg3: memref<4000x16xf32, #tpu.memory_space<vmem>>, %arg4: memref<16x256xbf16, #tpu.memory_space<vmem>>, %arg5: memref<1x256xf32, #tpu.memory_space<vmem>>, %arg6: memref<256x128xbf16, #tpu.memory_space<vmem>>, %arg7: memref<1x128xf32, #tpu.memory_space<vmem>>, %arg8: memref<1x128xf32, #tpu.memory_space<vmem>>, %arg9: memref<1x128xf32, #tpu.memory_space<vmem>>, %arg10: memref<4000x128xf32, #tpu.memory_space<vmem>>, %arg11: memref<1x128xf32, #tpu.memory_space<vmem>>) attributes {dimension_semantics = [#tpu.dimension_semantics<arbitrary>], iteration_bounds = array<i64: 40>, scalar_prefetch = 0 : i64, scratch_operands = 0 : i64, tpu.core_type = #tpu.core_type<tc>, window_params = [{transform_indices = @transform_0, window_bounds = array<i64: 4000, 128>}, {transform_indices = @transform_1, window_bounds = array<i64: 4000, 128>}, {transform_indices = @transform_2, window_bounds = array<i64: 4000, 16>}, {pipeline_mode = #tpu.pipeline_mode<synchronous>, transform_indices = @transform_3, window_bounds = array<i64: 16, 256>}, {pipeline_mode = #tpu.pipeline_mode<synchronous>, transform_indices = @transform_4, window_bounds = array<i64: 1, 256>}, {pipeline_mode = #tpu.pipeline_mode<synchronous>, transform_indices = @transform_5, window_bounds = array<i64: 256, 128>}, {pipeline_mode = #tpu.pipeline_mode<synchronous>, transform_indices = @transform_6, window_bounds = array<i64: 1, 128>}, {pipeline_mode = #tpu.pipeline_mode<synchronous>, transform_indices = @transform_7, window_bounds = array<i64: 1, 128>}, {pipeline_mode = #tpu.pipeline_mode<synchronous>, transform_indices = @transform_8, window_bounds = array<i64: 1, 128>}, {transform_indices = @transform_9, window_bounds = array<i64: 4000, 128>}, {pipeline_mode = #tpu.pipeline_mode<synchronous>, transform_indices = @transform_10, window_bounds = array<i64: 1, 128>}]} {
    %get3A = arith.constant 0 : index
    %get3A_0 = arith.constant 0 : index
    %get3A_1 = vector.load %arg1[%get3A, %get3A_0] : memref<4000x128xi32, #tpu.memory_space<vmem>>, vector<4000x128xi32>
    %shift_left3A = arith.constant 16 : i32
    %shift_left3A_2 = vector.broadcast %shift_left3A : i32 to vector<4000x128xi32>
    %shift_left3A_3 = arith.shli %get3A_1, %shift_left3A_2 : vector<4000x128xi32>
    %bitcast_convert_type3A = tpu.bitcast %shift_left3A_3 : vector<4000x128xi32> -> vector<4000x128xf32>
    %and3A = arith.constant -65536 : i32
    %and3A_4 = vector.broadcast %and3A : i32 to vector<4000x128xi32>
    %and3A_5 = arith.andi %get3A_1, %and3A_4 : vector<4000x128xi32>
    %bitcast_convert_type3A_6 = tpu.bitcast %and3A_5 : vector<4000x128xi32> -> vector<4000x128xf32>
    %get3A_7 = arith.constant 0 : index
    %get3A_8 = arith.constant 0 : index
    %get3A_9 = vector.load %arg2[%get3A_7, %get3A_8] : memref<4000x128xi32, #tpu.memory_space<vmem>>, vector<4000x128xi32>
    %shift_left3A_10 = arith.constant 16 : i32
    %shift_left3A_11 = vector.broadcast %shift_left3A_10 : i32 to vector<4000x128xi32>
    %shift_left3A_12 = arith.shli %get3A_9, %shift_left3A_11 : vector<4000x128xi32>
    %bitcast_convert_type3A_13 = tpu.bitcast %shift_left3A_12 : vector<4000x128xi32> -> vector<4000x128xf32>
    %and3A_14 = arith.constant -65536 : i32
    %and3A_15 = vector.broadcast %and3A_14 : i32 to vector<4000x128xi32>
    %and3A_16 = arith.andi %get3A_9, %and3A_15 : vector<4000x128xi32>
    %bitcast_convert_type3A_17 = tpu.bitcast %and3A_16 : vector<4000x128xi32> -> vector<4000x128xf32>
    %add3A = arith.addf %bitcast_convert_type3A, %bitcast_convert_type3A_13 : vector<4000x128xf32>
    %add3A_18 = arith.addf %bitcast_convert_type3A_6, %bitcast_convert_type3A_17 : vector<4000x128xf32>
    %concatenate3A = tpu.concatenate %add3A, %add3A_18 in 1 : vector<4000x128xf32>, vector<4000x128xf32> -> vector<4000x256xf32>
    %get3A_19 = arith.constant 0 : index
    %get3A_20 = arith.constant 0 : index
    %get3A_21 = vector.load %arg5[%get3A_19, %get3A_20] : memref<1x256xf32, #tpu.memory_space<vmem>>, vector<1x256xf32>
    %add3A_22 = vector.broadcast %get3A_21 : vector<1x256xf32> to vector<4000x256xf32>
    %add3A_23 = arith.addf %concatenate3A, %add3A_22 : vector<4000x256xf32>
    %get3A_24 = arith.constant 0 : index
    %get3A_25 = arith.constant 0 : index
    %get3A_26 = vector.load %arg3[%get3A_24, %get3A_25] : memref<4000x16xf32, #tpu.memory_space<vmem>>, vector<4000x16xf32>
    %convert_element_type3A = arith.truncf %get3A_26 : vector<4000x16xf32> to vector<4000x16xbf16>
    %get3A_27 = arith.constant 0 : index
    %get3A_28 = arith.constant 0 : index
    %get3A_29 = vector.load %arg4[%get3A_27, %get3A_28] : memref<16x256xbf16, #tpu.memory_space<vmem>>, vector<16x256xbf16>
    %dot_general3A = arith.constant dense<0.000000e+00> : vector<4000x256xf32>
    %dot_general3A_30 = tpu.matmul %convert_element_type3A, %get3A_29, %dot_general3A {dimension_numbers = #tpu.dot_dimension_numbers<[1], [0], [0], [1], [0, 0, 1, 1], [], []>, transpose_lhs_hint = false} : vector<4000x16xbf16>, vector<16x256xbf16>, vector<4000x256xf32> -> vector<4000x256xf32>
    %add3A_31 = arith.addf %add3A_23, %dot_general3A_30 : vector<4000x256xf32>
    %max3A = arith.constant 0.000000e+00 : f32
    %max3A_32 = vector.broadcast %max3A : f32 to vector<4000x256xf32>
    %max3A_33 = arith.maximumf %add3A_31, %max3A_32 : vector<4000x256xf32>
    %convert_element_type3A_34 = arith.truncf %max3A_33 : vector<4000x256xf32> to vector<4000x256xbf16>
    %get3A_35 = arith.constant 0 : index
    %get3A_36 = arith.constant 0 : index
    %get3A_37 = vector.load %arg6[%get3A_35, %get3A_36] : memref<256x128xbf16, #tpu.memory_space<vmem>>, vector<256x128xbf16>
    %dot_general3A_38 = arith.constant dense<0.000000e+00> : vector<4000x128xf32>
    %dot_general3A_39 = tpu.matmul %convert_element_type3A_34, %get3A_37, %dot_general3A_38 {dimension_numbers = #tpu.dot_dimension_numbers<[1], [0], [0], [1], [0, 0, 1, 1], [], []>, transpose_lhs_hint = false} : vector<4000x256xbf16>, vector<256x128xbf16>, vector<4000x128xf32> -> vector<4000x128xf32>
    %get3A_40 = arith.constant 0 : index
    %get3A_41 = arith.constant 0 : index
    %get3A_42 = vector.load %arg7[%get3A_40, %get3A_41] : memref<1x128xf32, #tpu.memory_space<vmem>>, vector<1x128xf32>
    %add3A_43 = vector.broadcast %get3A_42 : vector<1x128xf32> to vector<4000x128xf32>
    %add3A_44 = arith.addf %dot_general3A_39, %add3A_43 : vector<4000x128xf32>
    %max3A_45 = arith.constant 0.000000e+00 : f32
    %max3A_46 = vector.broadcast %max3A_45 : f32 to vector<4000x128xf32>
    %max3A_47 = arith.maximumf %add3A_44, %max3A_46 : vector<4000x128xf32>
    %get3A_48 = arith.constant 0 : index
    %get3A_49 = arith.constant 0 : index
    %get3A_50 = vector.load %arg8[%get3A_48, %get3A_49] : memref<1x128xf32, #tpu.memory_space<vmem>>, vector<1x128xf32>
    %get3A_51 = arith.constant 0 : index
    %get3A_52 = arith.constant 0 : index
    %get3A_53 = vector.load %arg9[%get3A_51, %get3A_52] : memref<1x128xf32, #tpu.memory_space<vmem>>, vector<1x128xf32>
    %reduce_sum3A = arith.constant dense<0.000000e+00> : vector<4000xf32>
    %reduce_sum3A_54 = vector.multi_reduction <add>, %max3A_47, %reduce_sum3A [1] : vector<4000x128xf32> to vector<4000xf32>
    %broadcast_in_dim3A = vector.shape_cast %reduce_sum3A_54 : vector<4000xf32> to vector<4000x1xf32>
    %div3A = arith.constant 1.280000e+02 : f32
    %div3A_55 = vector.broadcast %div3A : f32 to vector<4000x1xf32>
    %div3A_56 = arith.divf %broadcast_in_dim3A, %div3A_55 : vector<4000x1xf32>
    %sub3A = vector.broadcast %div3A_56 : vector<4000x1xf32> to vector<4000x128xf32>
    %sub3A_57 = arith.subf %max3A_47, %sub3A : vector<4000x128xf32>
    %integer_pow3A = arith.mulf %sub3A_57, %sub3A_57 : vector<4000x128xf32>
    %reduce_sum3A_58 = arith.constant dense<0.000000e+00> : vector<4000xf32>
    %reduce_sum3A_59 = vector.multi_reduction <add>, %integer_pow3A, %reduce_sum3A_58 [1] : vector<4000x128xf32> to vector<4000xf32>
    %broadcast_in_dim3A_60 = vector.shape_cast %reduce_sum3A_59 : vector<4000xf32> to vector<4000x1xf32>
    %div3A_61 = arith.constant 1.280000e+02 : f32
    %div3A_62 = vector.broadcast %div3A_61 : f32 to vector<4000x1xf32>
    %div3A_63 = arith.divf %broadcast_in_dim3A_60, %div3A_62 : vector<4000x1xf32>
    %sub3A_64 = vector.broadcast %div3A_56 : vector<4000x1xf32> to vector<4000x128xf32>
    %sub3A_65 = arith.subf %max3A_47, %sub3A_64 : vector<4000x128xf32>
    %add3A_66 = arith.constant 9.99999974E-6 : f32
    %add3A_67 = vector.broadcast %add3A_66 : f32 to vector<4000x1xf32>
    %add3A_68 = arith.addf %div3A_63, %add3A_67 : vector<4000x1xf32>
    %sqrt3A = math.sqrt %add3A_68 : vector<4000x1xf32>
    %div3A_69 = vector.broadcast %sqrt3A : vector<4000x1xf32> to vector<4000x128xf32>
    %div3A_70 = arith.divf %sub3A_65, %div3A_69 : vector<4000x128xf32>
    %mul3A = vector.broadcast %get3A_50 : vector<1x128xf32> to vector<4000x128xf32>
    %mul3A_71 = arith.mulf %div3A_70, %mul3A : vector<4000x128xf32>
    %add3A_72 = vector.broadcast %get3A_53 : vector<1x128xf32> to vector<4000x128xf32>
    %add3A_73 = arith.addf %mul3A_71, %add3A_72 : vector<4000x128xf32>
    %swap3A = arith.constant 0 : index
    %swap3A_74 = arith.constant 0 : index
    %swap3A_75 = vector.load %arg10[%swap3A, %swap3A_74] : memref<4000x128xf32, #tpu.memory_space<vmem>>, vector<4000x128xf32>
    tpu.vector_store %arg10[%swap3A, %swap3A_74], %add3A_73 {strides = array<i32>} : memref<4000x128xf32, #tpu.memory_space<vmem>>, vector<4000x128xf32>,
    %eq3A = arith.constant 0 : i32
    %eq3A_76 = arith.cmpi eq, %arg0, %eq3A : i32
    %convert_element_type3A_77 = arith.extui %eq3A_76 : i1 to i32
    %cond3A = arith.constant 0 : i32
    %cond3A_78 = arith.cmpi ne, %convert_element_type3A_77, %cond3A : i32
    scf.if %cond3A_78 {
      %broadcast_in_dim3A_89 = arith.constant 0.000000e+00 : f32
      %broadcast_in_dim3A_90 = vector.broadcast %broadcast_in_dim3A_89 : f32 to vector<1x128xf32>
      %swap3A_91 = arith.constant 0 : index
      %swap3A_92 = arith.constant 0 : index
      %swap3A_93 = vector.load %arg11[%swap3A_91, %swap3A_92] : memref<1x128xf32, #tpu.memory_space<vmem>>, vector<1x128xf32>
      tpu.vector_store %arg11[%swap3A_91, %swap3A_92], %broadcast_in_dim3A_90 {strides = array<i32>} : memref<1x128xf32, #tpu.memory_space<vmem>>, vector<1x128xf32>,
    } else {
    }
    %get3A_79 = arith.constant 0 : index
    %get3A_80 = arith.constant 0 : index
    %get3A_81 = vector.load %arg11[%get3A_79, %get3A_80] : memref<1x128xf32, #tpu.memory_space<vmem>>, vector<1x128xf32>
    %reduce_sum3A_82 = arith.constant dense<0.000000e+00> : vector<128xf32>
    %reduce_sum3A_83 = vector.multi_reduction <add>, %add3A_73, %reduce_sum3A_82 [0] : vector<4000x128xf32> to vector<128xf32>
    %broadcast_in_dim3A_84 = vector.shape_cast %reduce_sum3A_83 : vector<128xf32> to vector<1x128xf32>
    %add3A_85 = arith.addf %get3A_81, %broadcast_in_dim3A_84 : vector<1x128xf32>
    %swap3A_86 = arith.constant 0 : index
    %swap3A_87 = arith.constant 0 : index
    %swap3A_88 = vector.load %arg11[%swap3A_86, %swap3A_87] : memref<1x128xf32, #tpu.memory_space<vmem>>, vector<1x128xf32>
    tpu.vector_store %arg11[%swap3A_86, %swap3A_87], %add3A_85 {strides = array<i32>} : memref<1x128xf32, #tpu.memory_space<vmem>>, vector<1x128xf32>,
    return
  }
  func.func @transform_0(%arg0: i32) -> (i32, i32) {
    %c0_i32 = arith.constant 0 : i32
    %c0_i32_0 = arith.constant 0 : i32
    return %arg0, %c0_i32 : i32, i32
  }
  func.func @transform_1(%arg0: i32) -> (i32, i32) {
    %c0_i32 = arith.constant 0 : i32
    %c0_i32_0 = arith.constant 0 : i32
    return %arg0, %c0_i32 : i32, i32
  }
  func.func @transform_2(%arg0: i32) -> (i32, i32) {
    %c0_i32 = arith.constant 0 : i32
    %c0_i32_0 = arith.constant 0 : i32
    return %arg0, %c0_i32 : i32, i32
  }
  func.func @transform_3(%arg0: i32) -> (i32, i32) {
    %c0_i32 = arith.constant 0 : i32
    %c0_i32_0 = arith.constant 0 : i32
    %c0_i32_1 = arith.constant 0 : i32
    return %c0_i32, %c0_i32_0 : i32, i32
  }
  func.func @transform_4(%arg0: i32) -> (i32, i32) {
    %c0_i32 = arith.constant 0 : i32
    %c0_i32_0 = arith.constant 0 : i32
    %c0_i32_1 = arith.constant 0 : i32
    return %c0_i32, %c0_i32_0 : i32, i32
  }
  func.func @transform_5(%arg0: i32) -> (i32, i32) {
    %c0_i32 = arith.constant 0 : i32
    %c0_i32_0 = arith.constant 0 : i32
    %c0_i32_1 = arith.constant 0 : i32
    return %c0_i32, %c0_i32_0 : i32, i32
  }
  func.func @transform_6(%arg0: i32) -> (i32, i32) {
    %c0_i32 = arith.constant 0 : i32
    %c0_i32_0 = arith.constant 0 : i32
    %c0_i32_1 = arith.constant 0 : i32
    return %c0_i32, %c0_i32_0 : i32, i32
  }
  func.func @transform_7(%arg0: i32) -> (i32, i32) {
    %c0_i32 = arith.constant 0 : i32
    %c0_i32_0 = arith.constant 0 : i32
    %c0_i32_1 = arith.constant 0 : i32
    return %c0_i32, %c0_i32_0 : i32, i32
  }
  func.func @transform_8(%arg0: i32) -> (i32, i32) {
    %c0_i32 = arith.constant 0 : i32
    %c0_i32_0 = arith.constant 0 : i32
    %c0_i32_1 = arith.constant 0 : i32
    return %c0_i32, %c0_i32_0 : i32, i32
  }
  func.func @transform_9(%arg0: i32) -> (i32, i32) {
    %c0_i32 = arith.constant 0 : i32
    %c0_i32_0 = arith.constant 0 : i32
    return %arg0, %c0_i32 : i32, i32
  }
  func.func @transform_10(%arg0: i32) -> (i32, i32) {
    %c0_i32 = arith.constant 0 : i32
    %c0_i32_0 = arith.constant 0 : i32
    %c0_i32_1 = arith.constant 0 : i32
    return %c0_i32, %c0_i32_0 : i32, i32
  }
}

module attributes {stable_mosaic.version = 14 : i64} {
  func.func @_node_body(%arg0: i32, %arg1: memref<1000x256xf32, #tpu.memory_space<vmem>>, %arg2: memref<1000x128xf32, #tpu.memory_space<vmem>>, %arg3: memref<1000x128xf32, #tpu.memory_space<vmem>>, %arg4: memref<128x256xbf16, #tpu.memory_space<vmem>>, %arg5: memref<1x256xf32, #tpu.memory_space<vmem>>, %arg6: memref<256x256xbf16, #tpu.memory_space<vmem>>, %arg7: memref<1x256xf32, #tpu.memory_space<vmem>>, %arg8: memref<1x256xf32, #tpu.memory_space<vmem>>, %arg9: memref<1x256xf32, #tpu.memory_space<vmem>>, %arg10: memref<1000x256xf32, #tpu.memory_space<vmem>>, %arg11: memref<1x256xf32, #tpu.memory_space<vmem>>) attributes {dimension_semantics = [#tpu.dimension_semantics<arbitrary>], iteration_bounds = array<i64: 10>, scalar_prefetch = 0 : i64, scratch_operands = 0 : i64, tpu.core_type = #tpu.core_type<tc>, window_params = [{transform_indices = @transform_0, window_bounds = array<i64: 1000, 256>}, {transform_indices = @transform_1, window_bounds = array<i64: 1000, 128>}, {transform_indices = @transform_2, window_bounds = array<i64: 1000, 128>}, {pipeline_mode = #tpu.pipeline_mode<synchronous>, transform_indices = @transform_3, window_bounds = array<i64: 128, 256>}, {pipeline_mode = #tpu.pipeline_mode<synchronous>, transform_indices = @transform_4, window_bounds = array<i64: 1, 256>}, {pipeline_mode = #tpu.pipeline_mode<synchronous>, transform_indices = @transform_5, window_bounds = array<i64: 256, 256>}, {pipeline_mode = #tpu.pipeline_mode<synchronous>, transform_indices = @transform_6, window_bounds = array<i64: 1, 256>}, {pipeline_mode = #tpu.pipeline_mode<synchronous>, transform_indices = @transform_7, window_bounds = array<i64: 1, 256>}, {pipeline_mode = #tpu.pipeline_mode<synchronous>, transform_indices = @transform_8, window_bounds = array<i64: 1, 256>}, {transform_indices = @transform_9, window_bounds = array<i64: 1000, 256>}, {pipeline_mode = #tpu.pipeline_mode<synchronous>, transform_indices = @transform_10, window_bounds = array<i64: 1, 256>}]} {
    %get3A = arith.constant 0 : index
    %get3A_0 = arith.constant 0 : index
    %get3A_1 = vector.load %arg2[%get3A, %get3A_0] : memref<1000x128xf32, #tpu.memory_space<vmem>>, vector<1000x128xf32>
    %get3A_2 = arith.constant 0 : index
    %get3A_3 = arith.constant 0 : index
    %get3A_4 = vector.load %arg3[%get3A_2, %get3A_3] : memref<1000x128xf32, #tpu.memory_space<vmem>>, vector<1000x128xf32>
    %add3A = arith.addf %get3A_1, %get3A_4 : vector<1000x128xf32>
    %convert_element_type3A = arith.truncf %add3A : vector<1000x128xf32> to vector<1000x128xbf16>
    %get3A_5 = arith.constant 0 : index
    %get3A_6 = arith.constant 0 : index
    %get3A_7 = vector.load %arg1[%get3A_5, %get3A_6] : memref<1000x256xf32, #tpu.memory_space<vmem>>, vector<1000x256xf32>
    %get3A_8 = arith.constant 0 : index
    %get3A_9 = arith.constant 0 : index
    %get3A_10 = vector.load %arg4[%get3A_8, %get3A_9] : memref<128x256xbf16, #tpu.memory_space<vmem>>, vector<128x256xbf16>
    %dot_general3A = arith.constant dense<0.000000e+00> : vector<1000x256xf32>
    %dot_general3A_11 = tpu.matmul %convert_element_type3A, %get3A_10, %dot_general3A {dimension_numbers = #tpu.dot_dimension_numbers<[1], [0], [0], [1], [0, 0, 1, 1], [], []>, transpose_lhs_hint = false} : vector<1000x128xbf16>, vector<128x256xbf16>, vector<1000x256xf32> -> vector<1000x256xf32>
    %add3A_12 = arith.addf %get3A_7, %dot_general3A_11 : vector<1000x256xf32>
    %get3A_13 = arith.constant 0 : index
    %get3A_14 = arith.constant 0 : index
    %get3A_15 = vector.load %arg5[%get3A_13, %get3A_14] : memref<1x256xf32, #tpu.memory_space<vmem>>, vector<1x256xf32>
    %add3A_16 = vector.broadcast %get3A_15 : vector<1x256xf32> to vector<1000x256xf32>
    %add3A_17 = arith.addf %add3A_12, %add3A_16 : vector<1000x256xf32>
    %max3A = arith.constant 0.000000e+00 : f32
    %max3A_18 = vector.broadcast %max3A : f32 to vector<1000x256xf32>
    %max3A_19 = arith.maximumf %add3A_17, %max3A_18 : vector<1000x256xf32>
    %convert_element_type3A_20 = arith.truncf %max3A_19 : vector<1000x256xf32> to vector<1000x256xbf16>
    %get3A_21 = arith.constant 0 : index
    %get3A_22 = arith.constant 0 : index
    %get3A_23 = vector.load %arg6[%get3A_21, %get3A_22] : memref<256x256xbf16, #tpu.memory_space<vmem>>, vector<256x256xbf16>
    %dot_general3A_24 = arith.constant dense<0.000000e+00> : vector<1000x256xf32>
    %dot_general3A_25 = tpu.matmul %convert_element_type3A_20, %get3A_23, %dot_general3A_24 {dimension_numbers = #tpu.dot_dimension_numbers<[1], [0], [0], [1], [0, 0, 1, 1], [], []>, transpose_lhs_hint = false} : vector<1000x256xbf16>, vector<256x256xbf16>, vector<1000x256xf32> -> vector<1000x256xf32>
    %get3A_26 = arith.constant 0 : index
    %get3A_27 = arith.constant 0 : index
    %get3A_28 = vector.load %arg7[%get3A_26, %get3A_27] : memref<1x256xf32, #tpu.memory_space<vmem>>, vector<1x256xf32>
    %add3A_29 = vector.broadcast %get3A_28 : vector<1x256xf32> to vector<1000x256xf32>
    %add3A_30 = arith.addf %dot_general3A_25, %add3A_29 : vector<1000x256xf32>
    %max3A_31 = arith.constant 0.000000e+00 : f32
    %max3A_32 = vector.broadcast %max3A_31 : f32 to vector<1000x256xf32>
    %max3A_33 = arith.maximumf %add3A_30, %max3A_32 : vector<1000x256xf32>
    %get3A_34 = arith.constant 0 : index
    %get3A_35 = arith.constant 0 : index
    %get3A_36 = vector.load %arg8[%get3A_34, %get3A_35] : memref<1x256xf32, #tpu.memory_space<vmem>>, vector<1x256xf32>
    %get3A_37 = arith.constant 0 : index
    %get3A_38 = arith.constant 0 : index
    %get3A_39 = vector.load %arg9[%get3A_37, %get3A_38] : memref<1x256xf32, #tpu.memory_space<vmem>>, vector<1x256xf32>
    %reduce_sum3A = arith.constant dense<0.000000e+00> : vector<1000xf32>
    %reduce_sum3A_40 = vector.multi_reduction <add>, %max3A_33, %reduce_sum3A [1] : vector<1000x256xf32> to vector<1000xf32>
    %broadcast_in_dim3A = vector.shape_cast %reduce_sum3A_40 : vector<1000xf32> to vector<1000x1xf32>
    %div3A = arith.constant 2.560000e+02 : f32
    %div3A_41 = vector.broadcast %div3A : f32 to vector<1000x1xf32>
    %div3A_42 = arith.divf %broadcast_in_dim3A, %div3A_41 : vector<1000x1xf32>
    %sub3A = vector.broadcast %div3A_42 : vector<1000x1xf32> to vector<1000x256xf32>
    %sub3A_43 = arith.subf %max3A_33, %sub3A : vector<1000x256xf32>
    %integer_pow3A = arith.mulf %sub3A_43, %sub3A_43 : vector<1000x256xf32>
    %reduce_sum3A_44 = arith.constant dense<0.000000e+00> : vector<1000xf32>
    %reduce_sum3A_45 = vector.multi_reduction <add>, %integer_pow3A, %reduce_sum3A_44 [1] : vector<1000x256xf32> to vector<1000xf32>
    %broadcast_in_dim3A_46 = vector.shape_cast %reduce_sum3A_45 : vector<1000xf32> to vector<1000x1xf32>
    %div3A_47 = arith.constant 2.560000e+02 : f32
    %div3A_48 = vector.broadcast %div3A_47 : f32 to vector<1000x1xf32>
    %div3A_49 = arith.divf %broadcast_in_dim3A_46, %div3A_48 : vector<1000x1xf32>
    %sub3A_50 = vector.broadcast %div3A_42 : vector<1000x1xf32> to vector<1000x256xf32>
    %sub3A_51 = arith.subf %max3A_33, %sub3A_50 : vector<1000x256xf32>
    %add3A_52 = arith.constant 9.99999974E-6 : f32
    %add3A_53 = vector.broadcast %add3A_52 : f32 to vector<1000x1xf32>
    %add3A_54 = arith.addf %div3A_49, %add3A_53 : vector<1000x1xf32>
    %sqrt3A = math.sqrt %add3A_54 : vector<1000x1xf32>
    %div3A_55 = vector.broadcast %sqrt3A : vector<1000x1xf32> to vector<1000x256xf32>
    %div3A_56 = arith.divf %sub3A_51, %div3A_55 : vector<1000x256xf32>
    %mul3A = vector.broadcast %get3A_36 : vector<1x256xf32> to vector<1000x256xf32>
    %mul3A_57 = arith.mulf %div3A_56, %mul3A : vector<1000x256xf32>
    %add3A_58 = vector.broadcast %get3A_39 : vector<1x256xf32> to vector<1000x256xf32>
    %add3A_59 = arith.addf %mul3A_57, %add3A_58 : vector<1000x256xf32>
    %swap3A = arith.constant 0 : index
    %swap3A_60 = arith.constant 0 : index
    %swap3A_61 = vector.load %arg10[%swap3A, %swap3A_60] : memref<1000x256xf32, #tpu.memory_space<vmem>>, vector<1000x256xf32>
    tpu.vector_store %arg10[%swap3A, %swap3A_60], %add3A_59 {strides = array<i32>} : memref<1000x256xf32, #tpu.memory_space<vmem>>, vector<1000x256xf32>,
    %eq3A = arith.constant 0 : i32
    %eq3A_62 = arith.cmpi eq, %arg0, %eq3A : i32
    %convert_element_type3A_63 = arith.extui %eq3A_62 : i1 to i32
    %cond3A = arith.constant 0 : i32
    %cond3A_64 = arith.cmpi ne, %convert_element_type3A_63, %cond3A : i32
    scf.if %cond3A_64 {
      %broadcast_in_dim3A_75 = arith.constant 0.000000e+00 : f32
      %broadcast_in_dim3A_76 = vector.broadcast %broadcast_in_dim3A_75 : f32 to vector<1x256xf32>
      %swap3A_77 = arith.constant 0 : index
      %swap3A_78 = arith.constant 0 : index
      %swap3A_79 = vector.load %arg11[%swap3A_77, %swap3A_78] : memref<1x256xf32, #tpu.memory_space<vmem>>, vector<1x256xf32>
      tpu.vector_store %arg11[%swap3A_77, %swap3A_78], %broadcast_in_dim3A_76 {strides = array<i32>} : memref<1x256xf32, #tpu.memory_space<vmem>>, vector<1x256xf32>,
    } else {
    }
    %get3A_65 = arith.constant 0 : index
    %get3A_66 = arith.constant 0 : index
    %get3A_67 = vector.load %arg11[%get3A_65, %get3A_66] : memref<1x256xf32, #tpu.memory_space<vmem>>, vector<1x256xf32>
    %reduce_sum3A_68 = arith.constant dense<0.000000e+00> : vector<256xf32>
    %reduce_sum3A_69 = vector.multi_reduction <add>, %add3A_59, %reduce_sum3A_68 [0] : vector<1000x256xf32> to vector<256xf32>
    %broadcast_in_dim3A_70 = vector.shape_cast %reduce_sum3A_69 : vector<256xf32> to vector<1x256xf32>
    %add3A_71 = arith.addf %get3A_67, %broadcast_in_dim3A_70 : vector<1x256xf32>
    %swap3A_72 = arith.constant 0 : index
    %swap3A_73 = arith.constant 0 : index
    %swap3A_74 = vector.load %arg11[%swap3A_72, %swap3A_73] : memref<1x256xf32, #tpu.memory_space<vmem>>, vector<1x256xf32>
    tpu.vector_store %arg11[%swap3A_72, %swap3A_73], %add3A_71 {strides = array<i32>} : memref<1x256xf32, #tpu.memory_space<vmem>>, vector<1x256xf32>,
    return
  }
  func.func @transform_0(%arg0: i32) -> (i32, i32) {
    %c0_i32 = arith.constant 0 : i32
    %c0_i32_0 = arith.constant 0 : i32
    return %arg0, %c0_i32 : i32, i32
  }
  func.func @transform_1(%arg0: i32) -> (i32, i32) {
    %c0_i32 = arith.constant 0 : i32
    %c0_i32_0 = arith.constant 0 : i32
    return %arg0, %c0_i32 : i32, i32
  }
  func.func @transform_2(%arg0: i32) -> (i32, i32) {
    %c0_i32 = arith.constant 0 : i32
    %c0_i32_0 = arith.constant 0 : i32
    return %arg0, %c0_i32 : i32, i32
  }
  func.func @transform_3(%arg0: i32) -> (i32, i32) {
    %c0_i32 = arith.constant 0 : i32
    %c0_i32_0 = arith.constant 0 : i32
    %c0_i32_1 = arith.constant 0 : i32
    return %c0_i32, %c0_i32_0 : i32, i32
  }
  func.func @transform_4(%arg0: i32) -> (i32, i32) {
    %c0_i32 = arith.constant 0 : i32
    %c0_i32_0 = arith.constant 0 : i32
    %c0_i32_1 = arith.constant 0 : i32
    return %c0_i32, %c0_i32_0 : i32, i32
  }
  func.func @transform_5(%arg0: i32) -> (i32, i32) {
    %c0_i32 = arith.constant 0 : i32
    %c0_i32_0 = arith.constant 0 : i32
    %c0_i32_1 = arith.constant 0 : i32
    return %c0_i32, %c0_i32_0 : i32, i32
  }
  func.func @transform_6(%arg0: i32) -> (i32, i32) {
    %c0_i32 = arith.constant 0 : i32
    %c0_i32_0 = arith.constant 0 : i32
    %c0_i32_1 = arith.constant 0 : i32
    return %c0_i32, %c0_i32_0 : i32, i32
  }
  func.func @transform_7(%arg0: i32) -> (i32, i32) {
    %c0_i32 = arith.constant 0 : i32
    %c0_i32_0 = arith.constant 0 : i32
    %c0_i32_1 = arith.constant 0 : i32
    return %c0_i32, %c0_i32_0 : i32, i32
  }
  func.func @transform_8(%arg0: i32) -> (i32, i32) {
    %c0_i32 = arith.constant 0 : i32
    %c0_i32_0 = arith.constant 0 : i32
    %c0_i32_1 = arith.constant 0 : i32
    return %c0_i32, %c0_i32_0 : i32, i32
  }
  func.func @transform_9(%arg0: i32) -> (i32, i32) {
    %c0_i32 = arith.constant 0 : i32
    %c0_i32_0 = arith.constant 0 : i32
    return %arg0, %c0_i32 : i32, i32
  }
  func.func @transform_10(%arg0: i32) -> (i32, i32) {
    %c0_i32 = arith.constant 0 : i32
    %c0_i32_0 = arith.constant 0 : i32
    %c0_i32_1 = arith.constant 0 : i32
    return %c0_i32, %c0_i32_0 : i32, i32
  }
}

module attributes {stable_mosaic.version = 14 : i64} {
  func.func @_global_body(%arg0: memref<1x32xf32, #tpu.memory_space<vmem>>, %arg1: memref<1x256xf32, #tpu.memory_space<vmem>>, %arg2: memref<1x128xf32, #tpu.memory_space<vmem>>, %arg3: memref<32x256xf32, #tpu.memory_space<vmem>>, %arg4: memref<256x256xf32, #tpu.memory_space<vmem>>, %arg5: memref<128x256xf32, #tpu.memory_space<vmem>>, %arg6: memref<1x256xf32, #tpu.memory_space<vmem>>, %arg7: memref<256x32xf32, #tpu.memory_space<vmem>>, %arg8: memref<1x32xf32, #tpu.memory_space<vmem>>, %arg9: memref<1x32xf32, #tpu.memory_space<vmem>>, %arg10: memref<1x32xf32, #tpu.memory_space<vmem>>, %arg11: memref<1x32xf32, #tpu.memory_space<vmem>>) attributes {dimension_semantics = [], scalar_prefetch = 0 : i64, scratch_operands = 0 : i64, tpu.core_type = #tpu.core_type<tc>} {
    %get3A = arith.constant 0 : index
    %get3A_0 = arith.constant 0 : index
    %get3A_1 = vector.load %arg0[%get3A, %get3A_0] : memref<1x32xf32, #tpu.memory_space<vmem>>, vector<1x32xf32>
    %get3A_2 = arith.constant 0 : index
    %get3A_3 = arith.constant 0 : index
    %get3A_4 = vector.load %arg3[%get3A_2, %get3A_3] : memref<32x256xf32, #tpu.memory_space<vmem>>, vector<32x256xf32>
    %dot_general3A = arith.constant dense<0.000000e+00> : vector<1x256xf32>
    %dot_general3A_5 = tpu.matmul %get3A_1, %get3A_4, %dot_general3A {dimension_numbers = #tpu.dot_dimension_numbers<[1], [0], [0], [1], [0, 0, 1, 1], [], []>, transpose_lhs_hint = false} : vector<1x32xf32>, vector<32x256xf32>, vector<1x256xf32> -> vector<1x256xf32>
    %get3A_6 = arith.constant 0 : index
    %get3A_7 = arith.constant 0 : index
    %get3A_8 = vector.load %arg1[%get3A_6, %get3A_7] : memref<1x256xf32, #tpu.memory_space<vmem>>, vector<1x256xf32>
    %mul3A = arith.constant 9.99999974E-5 : f32
    %mul3A_9 = vector.broadcast %mul3A : f32 to vector<1x256xf32>
    %mul3A_10 = arith.mulf %get3A_8, %mul3A_9 : vector<1x256xf32>
    %get3A_11 = arith.constant 0 : index
    %get3A_12 = arith.constant 0 : index
    %get3A_13 = vector.load %arg4[%get3A_11, %get3A_12] : memref<256x256xf32, #tpu.memory_space<vmem>>, vector<256x256xf32>
    %dot_general3A_14 = arith.constant dense<0.000000e+00> : vector<1x256xf32>
    %dot_general3A_15 = tpu.matmul %mul3A_10, %get3A_13, %dot_general3A_14 {dimension_numbers = #tpu.dot_dimension_numbers<[1], [0], [0], [1], [0, 0, 1, 1], [], []>, transpose_lhs_hint = false} : vector<1x256xf32>, vector<256x256xf32>, vector<1x256xf32> -> vector<1x256xf32>
    %add3A = arith.addf %dot_general3A_5, %dot_general3A_15 : vector<1x256xf32>
    %get3A_16 = arith.constant 0 : index
    %get3A_17 = arith.constant 0 : index
    %get3A_18 = vector.load %arg2[%get3A_16, %get3A_17] : memref<1x128xf32, #tpu.memory_space<vmem>>, vector<1x128xf32>
    %mul3A_19 = arith.constant 6.250000e-06 : f32
    %mul3A_20 = vector.broadcast %mul3A_19 : f32 to vector<1x128xf32>
    %mul3A_21 = arith.mulf %get3A_18, %mul3A_20 : vector<1x128xf32>
    %get3A_22 = arith.constant 0 : index
    %get3A_23 = arith.constant 0 : index
    %get3A_24 = vector.load %arg5[%get3A_22, %get3A_23] : memref<128x256xf32, #tpu.memory_space<vmem>>, vector<128x256xf32>
    %dot_general3A_25 = arith.constant dense<0.000000e+00> : vector<1x256xf32>
    %dot_general3A_26 = tpu.matmul %mul3A_21, %get3A_24, %dot_general3A_25 {dimension_numbers = #tpu.dot_dimension_numbers<[1], [0], [0], [1], [0, 0, 1, 1], [], []>, transpose_lhs_hint = false} : vector<1x128xf32>, vector<128x256xf32>, vector<1x256xf32> -> vector<1x256xf32>
    %add3A_27 = arith.addf %add3A, %dot_general3A_26 : vector<1x256xf32>
    %get3A_28 = arith.constant 0 : index
    %get3A_29 = arith.constant 0 : index
    %get3A_30 = vector.load %arg6[%get3A_28, %get3A_29] : memref<1x256xf32, #tpu.memory_space<vmem>>, vector<1x256xf32>
    %add3A_31 = arith.addf %add3A_27, %get3A_30 : vector<1x256xf32>
    %max3A = arith.constant 0.000000e+00 : f32
    %max3A_32 = vector.broadcast %max3A : f32 to vector<1x256xf32>
    %max3A_33 = arith.maximumf %add3A_31, %max3A_32 : vector<1x256xf32>
    %get3A_34 = arith.constant 0 : index
    %get3A_35 = arith.constant 0 : index
    %get3A_36 = vector.load %arg7[%get3A_34, %get3A_35] : memref<256x32xf32, #tpu.memory_space<vmem>>, vector<256x32xf32>
    %dot_general3A_37 = arith.constant dense<0.000000e+00> : vector<1x32xf32>
    %dot_general3A_38 = tpu.matmul %max3A_33, %get3A_36, %dot_general3A_37 {dimension_numbers = #tpu.dot_dimension_numbers<[1], [0], [0], [1], [0, 0, 1, 1], [], []>, transpose_lhs_hint = false} : vector<1x256xf32>, vector<256x32xf32>, vector<1x32xf32> -> vector<1x32xf32>
    %get3A_39 = arith.constant 0 : index
    %get3A_40 = arith.constant 0 : index
    %get3A_41 = vector.load %arg8[%get3A_39, %get3A_40] : memref<1x32xf32, #tpu.memory_space<vmem>>, vector<1x32xf32>
    %add3A_42 = arith.addf %dot_general3A_38, %get3A_41 : vector<1x32xf32>
    %max3A_43 = arith.constant 0.000000e+00 : f32
    %max3A_44 = vector.broadcast %max3A_43 : f32 to vector<1x32xf32>
    %max3A_45 = arith.maximumf %add3A_42, %max3A_44 : vector<1x32xf32>
    %get3A_46 = arith.constant 0 : index
    %get3A_47 = arith.constant 0 : index
    %get3A_48 = vector.load %arg9[%get3A_46, %get3A_47] : memref<1x32xf32, #tpu.memory_space<vmem>>, vector<1x32xf32>
    %get3A_49 = arith.constant 0 : index
    %get3A_50 = arith.constant 0 : index
    %get3A_51 = vector.load %arg10[%get3A_49, %get3A_50] : memref<1x32xf32, #tpu.memory_space<vmem>>, vector<1x32xf32>
    %reduce_sum3A = arith.constant dense<0.000000e+00> : vector<1xf32>
    %reduce_sum3A_52 = vector.multi_reduction <add>, %max3A_45, %reduce_sum3A [1] : vector<1x32xf32> to vector<1xf32>
    %broadcast_in_dim3A = vector.shape_cast %reduce_sum3A_52 : vector<1xf32> to vector<1x1xf32>
    %div3A = arith.constant 3.200000e+01 : f32
    %div3A_53 = vector.broadcast %div3A : f32 to vector<1x1xf32>
    %div3A_54 = arith.divf %broadcast_in_dim3A, %div3A_53 : vector<1x1xf32>
    %sub3A = vector.broadcast %div3A_54 : vector<1x1xf32> to vector<1x32xf32>
    %sub3A_55 = arith.subf %max3A_45, %sub3A : vector<1x32xf32>
    %integer_pow3A = arith.mulf %sub3A_55, %sub3A_55 : vector<1x32xf32>
    %reduce_sum3A_56 = arith.constant dense<0.000000e+00> : vector<1xf32>
    %reduce_sum3A_57 = vector.multi_reduction <add>, %integer_pow3A, %reduce_sum3A_56 [1] : vector<1x32xf32> to vector<1xf32>
    %broadcast_in_dim3A_58 = vector.shape_cast %reduce_sum3A_57 : vector<1xf32> to vector<1x1xf32>
    %div3A_59 = arith.constant 3.200000e+01 : f32
    %div3A_60 = vector.broadcast %div3A_59 : f32 to vector<1x1xf32>
    %div3A_61 = arith.divf %broadcast_in_dim3A_58, %div3A_60 : vector<1x1xf32>
    %sub3A_62 = vector.broadcast %div3A_54 : vector<1x1xf32> to vector<1x32xf32>
    %sub3A_63 = arith.subf %max3A_45, %sub3A_62 : vector<1x32xf32>
    %add3A_64 = arith.constant 9.99999974E-6 : f32
    %add3A_65 = vector.broadcast %add3A_64 : f32 to vector<1x1xf32>
    %add3A_66 = arith.addf %div3A_61, %add3A_65 : vector<1x1xf32>
    %sqrt3A = math.sqrt %add3A_66 : vector<1x1xf32>
    %div3A_67 = vector.broadcast %sqrt3A : vector<1x1xf32> to vector<1x32xf32>
    %div3A_68 = arith.divf %sub3A_63, %div3A_67 : vector<1x32xf32>
    %mul3A_69 = arith.mulf %div3A_68, %get3A_48 : vector<1x32xf32>
    %add3A_70 = arith.addf %mul3A_69, %get3A_51 : vector<1x32xf32>
    %swap3A = arith.constant 0 : index
    %swap3A_71 = arith.constant 0 : index
    %swap3A_72 = vector.load %arg11[%swap3A, %swap3A_71] : memref<1x32xf32, #tpu.memory_space<vmem>>, vector<1x32xf32>
    tpu.vector_store %arg11[%swap3A, %swap3A_71], %add3A_70 {strides = array<i32>} : memref<1x32xf32, #tpu.memory_space<vmem>>, vector<1x32xf32>,
    return
  }
}

</mosaic_0001>

<sc_bundles>
// kernel: kernel.11.cloned.1.call-start
scs
__scs_entry_jumppad:
0x0: {  	(pc) =	sbr.rel $0x88, $3  }
0x1: {  	(tag) =	ssettag $0x0;
	lr =	simm.s32 $0x1  }
0x2: {  	[smem:$0x3F8B] =	sst lr;
	_ =	strace $0xD0000000  }
0x3: {  	_ = 	snop  }
0x4: {  	_ = 	snop  }
0x5: {  	_ = 	snop  }
0x6: {  	_ = 	snop  }
0x7: {  	_ = 	snop  }
__scs_overlays_trampoline_lowered:
0x8: {  	[smem:$0x3F9A] =	sst s0  }
0x9: {  	[smem:$0x3F9B] =	sst s1  }
0xa: {  	[smem:$0x3F9C] =	sst s2  }
0xb: {  	[smem:$0x3F9D] =	sst s3  }
0xc: {  	[smem:$0x3F9E] =	sst s4  }
0xd: {  	[smem:$0x3F9F] =	sst s5  }
0xe: {  	[smem:$0x3FA0] =	sst s6  }
0xf: {  	[smem:$0x3FA1] =	sst s7  }
0x10: {  	[smem:$0x3FA2] =	sst s8  }
0x11: {  	[smem:$0x3FA3] =	sst s9;
	s0 =	simm.s32 @!p0 $0x0  }
0x12: {  	s1 =	sld [smem:$0x3F89];
	s0 =	simm.s32 @p0 $0x1  }
0x13: {  	[smem:$0x3FA4] =	sst s0;
	s0 =	simm.s32 @!p1 $0x0  }
0x14: {  	s2 =	sld [smem:$0x3F88];
	s0 =	simm.s32 @p1 $0x1  }
0x15: {  	[smem:$0x3FA5] =	sst s0;
	s0 =	simm.s32 @!p2 $0x0  }
0x16: {  	s3 =	sld [smem:$0x3FDB];
	s0 =	simm.s32 @p2 $0x1  }
0x17: {  	s4 =	simm.s32 $0x1BF5;
	[smem:$0x3FA7] =	sst s0  }
0x18: {  	s0 =	sld [smem:$0x3F8A];
	_ =	swait.ge [sflag:s4], $0x0  }
0x19: {  	s7 =	sld [smem:$0x3F8B]  }
0x1a: {  	s8 =	sadd.s32 $0xFFFFE003, lr  }
0x1b: {  	s9 =	sadd.s32 $0xFFFFFEF7, lr;
	s5 =	simm.s32 $0xFFFFFFFF;
	p2 =	slt.u32 s8, $0xFFFFF086  }
0x1c: {  	p1 =	slt.u32 s9, $0xF7A;
	s5 =	simm.s32 @!p2 $0x0  }
0x1d: {  	s5 =	simm.s32 @p1 $0x1;
	p0 =	seq.s32 s7, s2  }
0x1e: {  	s7 =	smul.u32 @!p0 $0xF7A, s2;
	p2 =	seq.s32 @!p0 s5, $0x0  }
0x1f: {  	s9 =	smul.u32 $0xF7A, s1;
	s8 =	simm.s32 @!p0 $0x1BF5;
	p2 =	por !p2, p0  }
0x20: {  	[sflag:s8] =	ssyncset.s32 @!p0 $0xFFFFF086;
	s6 =	sadd.s32 @!p0 s3, s7;
	s7 =	simm.s32 @!p0 $0x108  }
0x21: {  	s3 =	sadd.s32 s3, s9;
	s6 =	sadd.s32 @!p0 $0x88, s6;
	s7 =	simm.s32 @p2 $0x1082  }
0x22: {  	[simem:s7], [sflag:s8] =	dma.local @!p0 [hbm:s6], $0xF7A  }
0x23: {  	s9 =	sor.u32 $0xD0000000, s2;
	s6 =	simm.s32 $0x108;
	_ =	swait.ge @!p0 [sflag:s8], $0x0  }
0x24: {  	s3 =	sadd.s32 $0x88, s3;
	s6 =	simm.s32 @!p1 $0x1082;
	[sflag:s4] =	ssyncset.s32 $0xFFFFF086  }
0x25: {  	[simem:s6], [sflag:s4] =	dma.local [hbm:s3], $0xF7A  }
0x26: {  	[smem:$0x3F8B] =	sst s1;
	(tag) =	ssettag s2;
	_ =	strace s9  }
0x27: {  	s1 =	sld [smem:$0x3F9B]  }
0x28: {  	s2 =	sld [smem:$0x3F9C]  }
0x29: {  	s4 =	sld [smem:$0x3F9E]  }
0x2a: {  	p0 =	seq.s32 s5, $0x0;
	s5 =	sld [smem:$0x3F9F]  }
0x2b: {  	s6 =	sld [smem:$0x3FA0]  }
0x2c: {  	s7 =	sld [smem:$0x3FA1]  }
0x2d: {  	s3 =	simm.s32 $0x108;
	s8 =	sld [smem:$0x3FA2]  }
0x2e: {  	s3 =	simm.s32 @!p0 $0x1082;
	s9 =	sld [smem:$0x3FA3]  }
0x2f: {  	lr =	sadd.s32 s0, s3;
	s0 =	sld [smem:$0x3F9A]  }
0x30: {  	s3 =	sld [smem:$0x3F9D]  }
0x31: {  	[smem:$0x3FA6] =	sst s10  }
0x32: {  	s10 =	sld [smem:$0x3FA4];
	_ =	sdelay $0x3  }
0x33: {  	p0 =	seq.s32 s10, $0x1;
	s10 =	sld [smem:$0x3FA6];
	_ =	sdelay $0x3  }
0x34: {  	[smem:$0x3FA6] =	sst s10  }
0x35: {  	s10 =	sld [smem:$0x3FA5];
	_ =	sdelay $0x3  }
0x36: {  	p1 =	seq.s32 s10, $0x1;
	s10 =	sld [smem:$0x3FA6];
	_ =	sdelay $0x3  }
0x37: {  	[smem:$0x3FA6] =	sst s10  }
0x38: {  	s10 =	sld [smem:$0x3FA7]  }
0x39: {  	_ = 	snop;
	(pc) =	sbr.ind lr, $3  }
0x3a: {  	_ = 	snop  }
0x3b: {  	_ = 	snop  }
0x3c: {  	p2 =	seq.s32 s10, $0x1;
	s10 =	sld [smem:$0x3FA6]  }
0x3d: {  	_ =	shalt  }
0x3e: {  	_ =	shalt  }
0x3f: {  	_ =	shalt  }
0x40: {  	_ =	shalt  }
0x41: {  	_ =	shalt  }
0x42: {  	_ =	shalt  }
0x43: {  	_ =	shalt  }
0x44: {  	_ =	shalt  }
0x45: {  	_ =	shalt  }
0x46: {  	_ =	shalt  }
0x47: {  	_ =	shalt  }
0x48: {  	_ =	shalt  }
0x49: {  	_ =	shalt  }
0x4a: {  	_ =	shalt  }
0x4b: {  	_ =	shalt  }
0x4c: {  	_ =	shalt  }
0x4d: {  	_ =	shalt  }
0x4e: {  	_ =	shalt  }
0x4f: {  	_ =	shalt  }
0x50: {  	_ =	shalt  }
0x51: {  	_ =	shalt  }
0x52: {  	_ =	shalt  }
0x53: {  	_ =	shalt  }
0x54: {  	_ =	shalt  }
0x55: {  	_ =	shalt  }
0x56: {  	_ =	shalt  }
0x57: {  	_ =	shalt  }
0x58: {  	_ =	shalt  }
0x59: {  	_ =	shalt  }
0x5a: {  	_ =	shalt  }
0x5b: {  	_ =	shalt  }
0x5c: {  	_ =	shalt  }
0x5d: {  	_ =	shalt  }
0x5e: {  	_ =	shalt  }
0x5f: {  	_ =	shalt  }
0x60: {  	_ =	shalt  }
0x61: {  	_ =	shalt  }
0x62: {  	_ =	shalt  }
0x63: {  	_ =	shalt  }
0x64: {  	_ =	shalt  }
0x65: {  	_ =	shalt  }
0x66: {  	_ =	shalt  }
0x67: {  	_ =	shalt  }
0x68: {  	_ =	shalt  }
0x69: {  	_ =	shalt  }
0x6a: {  	_ =	shalt  }
0x6b: {  	_ =	shalt  }
0x6c: {  	_ =	shalt  }
0x6d: {  	_ =	shalt  }
0x6e: {  	_ =	shalt  }
0x6f: {  	_ =	shalt  }
0x70: {  	_ =	shalt  }
0x71: {  	_ =	shalt  }
0x72: {  	_ =	shalt  }
0x73: {  	_ =	shalt  }
0x74: {  	_ =	shalt  }
0x75: {  	_ =	shalt  }
0x76: {  	_ =	shalt  }
0x77: {  	_ =	shalt  }
0x78: {  	_ =	shalt  }
0x79: {  	_ =	shalt  }
0x7a: {  	_ =	shalt  }
0x7b: {  	_ =	shalt  }
0x7c: {  	_ =	shalt  }
0x7d: {  	_ =	shalt  }
0x7e: {  	_ =	shalt  }
0x7f: {  	_ =	shalt  }
0x80: {  	_ =	shalt  }
0x81: {  	_ =	shalt  }
0x82: {  	_ =	shalt  }
0x83: {  	_ =	shalt  }
0x84: {  	_ =	shalt  }
0x85: {  	_ =	shalt  }
0x86: {  	_ =	shalt  }
0x87: {  	_ =	shalt  }
.Lfunc_end0:
.L_simem_size_0:
called_computation.1_lowered:
.L_overlay_start_0:
0x88: {  	s2 =	sld [smem:$0x3FD9]  }
0x89: {  	s3 =	sld [smem:$0x3FFE];
	_ =	sdelay $0x1  }
0x8a: {  	s1 =	srdreg.scid  }
0x8b: {  	s0 =	sand.u32 $0x1, s1  }
0x8c: {  	s14 =	sshll.u32 s0, $0xA;
	s2 =	sadd.s32 s3, s2  }
0x8d: {  	s2 =	sadd.s32 s2, s14  }
0x8e: {  	[smem:$0x3FB2] =	sst s2  }
0x8f: {  	_ = 	snop  }
0x90: {  	s2 =	sld [smem:$0x3FD0];
	_ =	sdelay $0x2  }
0x91: {  	s15 =	simm.s32 $0xA;
	s4 =	simm.s32 $0x10  }
0x92: {  	[smem:s4], [sflag:s15] =	dma.local [hbm:s2], $0x1  }
0x93: {  	_ =	swait.eq [sflag:s15], $0x1  }
0x94: {  	[sflag:s15] =	ssyncset.done $0x0  }
0x95: {  	[sflag:s15] =	ssyncadd.s32 $0xFFFFFFFF  }
0x96: {  	s16 =	sld [smem:$0x11];
	(tm) =	ssettm $0x1  }
0x97: {  	s17 =	sld [smem:$0x3FFB];
	_ =	sdelay $0x3  }
0x98: {  	_ =	strace s17  }
0x99: {  	s3 =	sld [smem:$0x3FFC];
	_ =	sdelay $0x3  }
0x9a: {  	_ =	strace s3  }
0x9b: {  	s3 =	sld [smem:$0x3FFD];
	_ =	sdelay $0x3  }
0x9c: {  	_ =	strace s3  }
0x9d: {  	_ =	strace $0x8FFFFFFF  }
0x9e: {  	s18 =	sld [smem:$0x3FDB];
	_ =	sdelay $0x1  }
0x9f: {  	s19 =	simm.s32 $_scs_section_size  }
0xa0: {  	s5 =	simm.s32 $_size__tile_overlayer_lowered;
	s6 =	simm.s32 $_tile_overlayer_lowered  }
0xa1: {  	s22 =	simm.s32 $0x1BFF;
	s21 =	sshll.u32 s6, $0x1;
	s3 =	sadd.s32 s19, s18  }
0xa2: {  	s7 =	simm.s32 $0x0;
	s20 =	sshll.u32 s5, $0x1;
	s5 =	sadd.s32 s21, s3  }
0xa3: {  	[timem:s7], [sflag:s22] =	dma.local [hbm:s5], s20  }
0xa4: {  	_ =	swait.ge [sflag:s22], s20  }
0xa5: {  	s4 =	ssub.s32 $0x0, s20;
	[sflag:s22] =	ssyncset.done $0x0  }
0xa6: {  	[sflag:s22] =	ssyncadd.s32 s4;
	_ =	sdelay $0x1  }
0xa7: {  	s23 =	simm.s32 $0x1B8B  }
0xa8: {  	_ =	swait.ge [sflag:s23], $0x1  }
0xa9: {  	[sflag:s23] =	ssyncset.done $0x0  }
0xaa: {  	s25 =	simm.s32 $0x1B8E;
	s24 =	sld [smem:$0x3FFE];
	[sflag:s23] =	ssyncadd.s32 $0xFFFFFFFF  }
0xab: {  	s26 =	simm.s32 $execute0_lowered;
	[smem:$0x3FD2] =	sst s25  }
0xac: {  	s5 =	sshll.u32 s26, $0x1;
	_ =	strace $0x80000049;
	[dreg:$0x1] =	wrdreg $0xFFFFFFFF  }
0xad: {  	s28 =	simm.s32 $_size_execute0_lowered;
	s3 =	sadd.s32 s3, s5;
	[dreg:$0x0] =	wrdreg $0x0  }
0xae: {  	s5 =	sshll.u32 s28, $0x1;
	[dreg:$0x2] =	wrdreg s3  }
0xaf: {  	[dreg:$0x3] =	wrdreg s5  }
0xb0: {  	[dreg:$0x4] =	wrdreg $0xC0  }
0xb1: {  	_ =	task [dreg:s7], $0x5FFFF  }
0xb2: {  	[dreg:$0x1] =	wrdreg $0xFFFFFFFF  }
0xb3: {  	[dreg:$0x0] =	wrdreg $0x60  }
0xb4: {  	[dreg:$0x2] =	wrdreg s16  }
0xb5: {  	[dreg:$0x3] =	wrdreg s24  }
0xb6: {  	[dreg:$0x4] =	wrdreg $0x0  }
0xb7: {  	[dreg:$0x5] =	wrdreg $0x9  }
0xb8: {  	_ =	task.clear_ibuf [dreg:s7], $0x6FFFF;
	_ =	strace $0x90000049  }
0xb9: {  	s29 =	simm.s32 $0x9;
	_ =	strace $0x8000004B  }
0xba: {  	_ =	swait.ge [sflag:s29], $0x1  }
0xbb: {  	[sflag:s29] =	ssyncadd.s32 $0xFFFFFFFF  }
0xbc: {  	_ =	strace $0x9000004B  }
0xbd: {  	_ =	sfence  }
0xbe: {  	s30 =	sld [smem:$0x0];
	_ =	sdelay $0x2  }
0xbf: {  	s31 =	sshll.u32 s1, $0xD;
	s1 =	sshrl.u32 s1, $0x2  }
0xc0: {  	s3 =	sand.u32 $0x4000, s31;
	s1 =	sadd.s32 s1, s30  }
0xc1: {  	s0 =	sor.u32 s3, s0;
	s1 =	sshll.u32 s1, $0x11  }
0xc2: {  	s0 =	sor.u32 s1, s0  }
0xc3: {  	s0 =	sadd.s32 $0x8F2B, s0  }
0xc4: {  	[sflag:s0] =	ssyncadd.remote.s32 $0x1  }
0xc5: {  	_ =	sfence.sel $0xFFFF  }
0xc6: {  	[dreg:$0x0] =	wrdreg $0xFFFFFFFF;
	(pc) =	sbr.abs _section_cstart, $3  }
0xc7: {  	[dreg:$0x1] =	wrdreg $0xFFFFFFFF  }
0xc8: {  	_ =	task.clear_ibuf [dreg:s7], $0x2FFFF;
	_ =	strace $0x9FFFFFFF  }
0xc9: {  	(tm) =	ssettm $0x7FFFFFFF  }
tec
execute0_lowered:
.L_overlay_start_1:
0x0: {  	(tag) =	ssettag $0x1  }
0x1: {  	s1 =	rddreg [dreg:$0x0]  }
0x2: {  	s0 =	rddreg [dreg:$0x1];
	s2 =	srdreg.scid  }
0x3: {  	s21 =	stileid.u32;
	s3 =	rddreg [dreg:$0x2]  }
0x4: {  	s4 =	simm.s32 $0x0;
	s29 =	simm.s32 $0x15380;
	s6 =	smul.u32 $0x50000, s21  }
0x5: {  	s30 =	simm.s32 $0x0;
	s2 =	sand.u32 $0x1, s2;
	s12 =	smul.u32 $0x14000, s21  }
0x6: {  	s5 =	sshll.u32 s21, $0x1;
	[smem:$0x7FF] =	sst s4;
	s24 =	smul.u32 $0x50, s21  }
0x7: {  	s21 =	simm.s32 $0x3;
	s7 =	sor.u32 s2, s5;
	s17 =	smul.u32 $0x140000, s2  }
0x8: {  	_ =	strace $0x8000004A;
	s19 =	ssub.s32 $0x2, s2;
	s2 =	smul.u32 $0x28, s2  }
0x9: {  	s5 =	smul.u32 $0x280, s7;
	s8 =	sshrl.u32 s19, $0x1;
	s6 =	sshrl.u32 s6, $0x2  }
0xa: {  	s13 =	sadd.s32 $0x4000, s12;
	s14 =	sadd.s32 $0x8000, s12;
	s11 =	smul.u32 $0x14000, s7  }
0xb: {  	s15 =	sadd.s32 $0xC000, s12;
	s16 =	sadd.s32 $0x10000, s12;
	s18 =	ssub.s32 s19, s8  }
0xc: {  	s7 =	sadd.s32 s14, s3;
	s8 =	sadd.s32 s15, s3;
	s9 =	sadd.s32 s16, s3  }
0xd: {  	s19 =	sadd.s32 s12, s17;
	s20 =	sadd.s32 s17, s13;
	s22 =	sadd.s32 s17, s14  }
0xe: {  	s25 =	sadd.s32 s17, s15;
	s16 =	sadd.s32 s17, s16;
	s31 =	sadd.s32 s2, s24  }
0xf: {  	s24 =	simm.s32 $0x1;
	s10 =	sadd.s32 s5, s0;
	s0 =	sadd.s32 $0x3D200, s0  }
0x10: {  	s5 =	sadd.s32 s6, s3;
	s6 =	sadd.s32 s13, s3;
	s11 =	sadd.s32 s1, s11  }
0x11: {  	s19 =	sshrl.u32 s19, $0x3;
	s20 =	sshrl.u32 s20, $0x3;
	s23 =	sshrl.u32 s22, $0x3  }
0x12: {  	s26 =	sshrl.u32 s25, $0x3;
	s28 =	sshrl.u32 s16, $0x3;
	s18 =	smax.u32 s18, $0x1  }
0x13: {  	s2 =	sor.u32 $0x3, s31;
	s25 =	simm.s32 $0x80;
	s10 =	sadd.s32 $0x10E00, s10  }
0x14: {  	s12 =	sadd.s32 $0x800, s11;
	s13 =	sadd.s32 s0, s19;
	s14 =	sadd.s32 s0, s20  }
0x15: {  	s15 =	sadd.s32 s0, s23;
	s16 =	sadd.s32 s0, s26;
	s17 =	sadd.s32 s0, s28  }
0x16: {  	v0 =	vimm.f32 $0.0e+00;
	s20 =	simm.s32 $0x15400;
	s23 =	simm.s32 $0x19400;
	s26 =	simm.s32 $0x2  }
.LBB2_1:
0x17: {  	s19 =	simm.s32 $0x0;
	s31 =	simm.s32 $0x200  }
.LBB2_2:
0x18: {  	p0 =	sne.s32 s31, $0xFE00;
	[tilespmem:s19+$0x15470] =	vst v0  }
0x19: {  	[tilespmem:s19+$0x15400] =	vst v0  }
0x1a: {  	[tilespmem:s19+$0x15410] =	vst v0  }
.Ltmp0:
0x1b: {  	[tilespmem:s19+$0x15420] =	vst v0;
	(pc) =	sbr.rel @p0 .LBB2_2-.Ltmp0, $4  }
0x1c: {  	[tilespmem:s19+$0x15430] =	vst v0  }
0x1d: {  	[tilespmem:s19+$0x15440] =	vst v0  }
0x1e: {  	[tilespmem:s19+$0x15450] =	vst v0  }
0x1f: {  	[tilespmem:s19+$0x15460] =	vst v0;
	s19 =	sshra.s32 s31, $0x2;
	s31 =	sadd.s32 $0x200, s31  }
0x20: {  	[tilespmem:s19+$0x15470] =	vst v0  }
0x21: {  	[tilespmem:s19+$0x15400] =	vst v0  }
0x22: {  	[tilespmem:s19+$0x15410] =	vst v0  }
0x23: {  	[tilespmem:s19+$0x15420] =	vst v0  }
0x24: {  	[tilespmem:s19+$0x15430] =	vst v0  }
0x25: {  	[tilespmem:s19+$0x15440] =	vst v0  }
0x26: {  	[tilespmem:s19+$0x15450] =	vst v0  }
0x27: {  	[tilespmem:s19+$0x15460] =	vst v0  }
0x28: {  	[spmem:s5] =	stream.linear.scatter [tilespmem:s20], [sflag:$0x3], $0x4000, $0x38;
	[tilespmem:$0x1D400] =	vst v63  }
0x29: {  	_ =	swait.ge [sflag:s21], $0x4000  }
0x2a: {  	[sflag:s21] =	ssyncset.done $0x0  }
0x2b: {  	[sflag:s21] =	ssyncadd.s32 $0xFFFFC000  }
0x2c: {  	[spmem:s6] =	stream.linear.scatter [tilespmem:s20], [sflag:$0x3], $0x4000, $0x38;
	[tilespmem:$0x1D400] =	vst v63  }
0x2d: {  	_ =	swait.ge [sflag:s21], $0x4000  }
0x2e: {  	[sflag:s21] =	ssyncset.done $0x0  }
0x2f: {  	[sflag:s21] =	ssyncadd.s32 $0xFFFFC000  }
0x30: {  	[spmem:s7] =	stream.linear.scatter [tilespmem:s20], [sflag:$0x3], $0x4000, $0x38;
	[tilespmem:$0x1D400] =	vst v63  }
0x31: {  	_ =	swait.ge [sflag:s21], $0x4000  }
0x32: {  	[sflag:s21] =	ssyncset.done $0x0  }
0x33: {  	[sflag:s21] =	ssyncadd.s32 $0xFFFFC000  }
0x34: {  	[spmem:s8] =	stream.linear.scatter [tilespmem:s20], [sflag:$0x3], $0x4000, $0x38;
	[tilespmem:$0x1D400] =	vst v63  }
0x35: {  	_ =	swait.ge [sflag:s21], $0x4000  }
0x36: {  	[sflag:s21] =	ssyncset.done $0x0  }
0x37: {  	[sflag:s21] =	ssyncadd.s32 $0xFFFFC000  }
0x38: {  	[spmem:s9] =	stream.linear.scatter [tilespmem:s20], [sflag:$0x3], $0x4000, $0x38;
	[tilespmem:$0x1D400] =	vst v63  }
0x39: {  	_ =	swait.ge [sflag:s21], $0x4000  }
0x3a: {  	[sflag:s21] =	ssyncset.done $0x0  }
0x3b: {  	[sflag:s21] =	ssyncadd.s32 $0xFFFFC000  }
0x3c: {  	s0 =	simm.s32 $0x0;
	s28 =	simm.s32 $0x14000;
	[bflag:$0x0] =	sbarrier.arrive $0xFFFF  }
0x3d: {  	[tilespmem:s28], [sflag:$0x3] =	stream.linear.gather [hbm4b:s10+s0], $0x1400, $0x38;
	[tilespmem:$0x1D400] =	vst v63  }
0x3e: {  	_ =	swait.ge [sflag:s21], $0x1400  }
0x3f: {  	[sflag:s21] =	ssyncset.done $0x0  }
0x40: {  	[sflag:s21] =	ssyncadd.s32 $0xFFFFEC00  }
0x41: {  	[tilespmem:s20], [sflag:$0x1] =	stream.linear.gather [hbm4b:s11+s0], $0x4000, $0x38;
	[tilespmem:$0x1D400] =	vst v63  }
0x42: {  	_ = 	snop  }
0x43: {  	[tilespmem:s23], [sflag:$0x2] =	stream.linear.gather [hbm4b:s12+s0], $0x4000, $0x38;
	[tilespmem:$0x1D400] =	vst v63  }
0x44: {  	_ =	swait.ge [sflag:s24], $0x4000  }
0x45: {  	s0 =	sadd.s32 $0xFFFFFFFF, s2;
	[sflag:s24] =	ssyncset.done $0x0  }
0x46: {  	s22 =	simm.s32 $0x14000;
	p0 =	slt.s32 s0, $0x4E1;
	[sflag:s24] =	ssyncadd.s32 $0xFFFFC000  }
0x47: {  	[spmem:s3] =	stream.indirect.scatter.add.f32 [tilespmem:s20], [sflag:$0x3], $0x80, s22, s25, $0xb8;
	[tilespmem:$0x1D400] =	vst v63  }
0x48: {  	s0 =	simm.s32 @!p0 $0x4E1;
	_ =	swait.ge [sflag:s21], $0x4000  }
0x49: {  	s0 =	sshll.u32 s0, $0xB;
	[sflag:s21] =	ssyncset.done $0x0  }
0x4a: {  	s0 =	sadd.s32 s1, s0;
	[sflag:s21] =	ssyncadd.s32 $0xFFFFC000  }
0x4b: {  	[tilespmem:s20], [sflag:$0x1] =	stream.linear.gather [hbm4b:s0+s4], $0x4000, $0x38;
	[tilespmem:$0x1D400] =	vst v63  }
0x4c: {  	s19 =	smov.u32 s2;
	_ =	swait.ge [sflag:s26], $0x4000  }
0x4d: {  	s31 =	simm.s32 $0x400;
	p0 =	slt.s32 s2, $0x4E1;
	[sflag:s26] =	ssyncset.done $0x0  }
0x4e: {  	s28 =	simm.s32 $0x14080;
	s19 =	simm.s32 @!p0 $0x4E1;
	[sflag:s26] =	ssyncadd.s32 $0xFFFFC000  }
0x4f: {  	[spmem:s3] =	stream.indirect.scatter.add.f32 [tilespmem:s23], [sflag:$0x3], $0x80, s28, s25, $0xb8;
	[tilespmem:$0x1D400] =	vst v63  }
0x50: {  	s0 =	sshll.u32 s19, $0xB;
	s19 =	smov.u32 s2;
	_ =	swait.ge [sflag:s21], $0x4000  }
.LBB2_4:
0x51: {  	p0 =	sne.s32 s31, $0x4800;
	[sflag:s21] =	ssyncset.done $0x0;
	s19 =	sadd.s32 $0x2, s19  }
0x52: {  	s22 =	sshra.s32 s31, $0x2;
	s0 =	sadd.s32 s1, s0;
	[sflag:s21] =	ssyncadd.s32 $0xFFFFC000  }
0x53: {  	[tilespmem:s23], [sflag:$0x2] =	stream.linear.gather [hbm4b:s0+s4], $0x4000, $0x38;
	[tilespmem:$0x1D400] =	vst v63  }
0x54: {  	s28 =	sadd.s32 $0xFFFFFFFF, s19;
	s0 =	sadd.s32 $0x14000, s22;
	_ =	swait.ge [sflag:s24], $0x4000  }
0x55: {  	s31 =	sadd.s32 $0x400, s31;
	p1 =	slt.s32 s28, $0x4E1;
	[sflag:s24] =	ssyncset.done $0x0  }
0x56: {  	s28 =	simm.s32 @!p1 $0x4E1;
	[sflag:s24] =	ssyncadd.s32 $0xFFFFC000  }
0x57: {  	[spmem:s3] =	stream.indirect.scatter.add.f32 [tilespmem:s20], [sflag:$0x3], $0x80, s0, s25, $0xb8;
	[tilespmem:$0x1D400] =	vst v63  }
0x58: {  	s0 =	sshll.u32 s28, $0xB;
	_ =	swait.ge [sflag:s21], $0x4000  }
0x59: {  	s0 =	sadd.s32 s1, s0;
	[sflag:s21] =	ssyncset.done $0x0  }
0x5a: {  	[sflag:s21] =	ssyncadd.s32 $0xFFFFC000  }
0x5b: {  	[tilespmem:s20], [sflag:$0x1] =	stream.linear.gather [hbm4b:s0+s4], $0x4000, $0x38;
	[tilespmem:$0x1D400] =	vst v63  }
.Ltmp1:
0x5c: {  	s0 =	sadd.s32 $0x14080, s22;
	_ =	swait.ge [sflag:s26], $0x4000;
	(pc) =	sbr.rel @p0 .LBB2_4-.Ltmp1, $4  }
0x5d: {  	p1 =	slt.s32 s19, $0x4E1;
	s22 =	smov.u32 s19;
	[sflag:s26] =	ssyncset.done $0x0  }
0x5e: {  	s22 =	simm.s32 @!p1 $0x4E1;
	[sflag:s26] =	ssyncadd.s32 $0xFFFFC000  }
0x5f: {  	[spmem:s3] =	stream.indirect.scatter.add.f32 [tilespmem:s23], [sflag:$0x3], $0x80, s0, s25, $0xb8;
	[tilespmem:$0x1D400] =	vst v63  }
0x60: {  	s0 =	sshll.u32 s22, $0xB;
	_ =	swait.ge [sflag:s21], $0x4000  }
0x61: {  	[sflag:s21] =	ssyncset.done $0x0  }
0x62: {  	s0 =	sadd.s32 s1, s0;
	[sflag:s21] =	ssyncadd.s32 $0xFFFFC000  }
0x63: {  	[tilespmem:s23], [sflag:$0x2] =	stream.linear.gather [hbm4b:s0+s4], $0x4000, $0x38;
	[tilespmem:$0x1D400] =	vst v63  }
0x64: {  	_ =	swait.ge [sflag:s24], $0x4000  }
0x65: {  	[sflag:s24] =	ssyncset.done $0x0  }
0x66: {  	s31 =	simm.s32 $0x15300;
	[sflag:s24] =	ssyncadd.s32 $0xFFFFC000  }
0x67: {  	[spmem:s3] =	stream.indirect.scatter.add.f32 [tilespmem:s20], [sflag:$0x3], $0x80, s31, s25, $0xb8;
	[tilespmem:$0x1D400] =	vst v63  }
0x68: {  	_ =	swait.ge [sflag:s21], $0x4000  }
0x69: {  	[sflag:s21] =	ssyncset.done $0x0  }
0x6a: {  	[sflag:s21] =	ssyncadd.s32 $0xFFFFC000  }
0x6b: {  	_ =	swait.ge [sflag:s26], $0x4000  }
0x6c: {  	[sflag:s26] =	ssyncset.done $0x0  }
0x6d: {  	[sflag:s26] =	ssyncadd.s32 $0xFFFFC000  }
0x6e: {  	[spmem:s3] =	stream.indirect.scatter.add.f32 [tilespmem:s23], [sflag:$0x3], $0x80, s29, s25, $0xb8;
	[tilespmem:$0x1D400] =	vst v63  }
0x6f: {  	_ =	swait.ge [sflag:s21], $0x4000  }
0x70: {  	[sflag:s21] =	ssyncset.done $0x0  }
0x71: {  	[sflag:s21] =	ssyncadd.s32 $0xFFFFC000  }
0x72: {  	[bflag:$0x0] =	sbarrier.arrive $0xFFFF  }
0x73: {  	[tilespmem:s20], [sflag:$0x3] =	stream.linear.gather [spmem:s5], $0x4000, $0x38;
	[tilespmem:$0x1D400] =	vst v63  }
0x74: {  	_ =	swait.ge [sflag:s21], $0x4000  }
0x75: {  	[sflag:s21] =	ssyncset.done $0x0  }
0x76: {  	[sflag:s21] =	ssyncadd.s32 $0xFFFFC000  }
0x77: {  	[hbm4b:s13+s4] =	stream.linear.scatter [tilespmem:s20], [sflag:$0x3], $0x4000, $0x38;
	[tilespmem:$0x1D400] =	vst v63  }
0x78: {  	_ =	swait.ge [sflag:s21], $0x4000  }
0x79: {  	[sflag:s21] =	ssyncset.done $0x0  }
0x7a: {  	[sflag:s21] =	ssyncadd.s32 $0xFFFFC000  }
0x7b: {  	[tilespmem:s20], [sflag:$0x3] =	stream.linear.gather [spmem:s6], $0x4000, $0x38;
	[tilespmem:$0x1D400] =	vst v63  }
0x7c: {  	_ =	swait.ge [sflag:s21], $0x4000  }
0x7d: {  	[sflag:s21] =	ssyncset.done $0x0  }
0x7e: {  	[sflag:s21] =	ssyncadd.s32 $0xFFFFC000  }
0x7f: {  	[hbm4b:s14+s4] =	stream.linear.scatter [tilespmem:s20], [sflag:$0x3], $0x4000, $0x38;
	[tilespmem:$0x1D400] =	vst v63  }
0x80: {  	_ =	swait.ge [sflag:s21], $0x4000  }
0x81: {  	[sflag:s21] =	ssyncset.done $0x0  }
0x82: {  	[sflag:s21] =	ssyncadd.s32 $0xFFFFC000  }
0x83: {  	[tilespmem:s20], [sflag:$0x3] =	stream.linear.gather [spmem:s7], $0x4000, $0x38;
	[tilespmem:$0x1D400] =	vst v63  }
0x84: {  	_ =	swait.ge [sflag:s21], $0x4000  }
0x85: {  	[sflag:s21] =	ssyncset.done $0x0  }
0x86: {  	[sflag:s21] =	ssyncadd.s32 $0xFFFFC000  }
0x87: {  	[hbm4b:s15+s4] =	stream.linear.scatter [tilespmem:s20], [sflag:$0x3], $0x4000, $0x38;
	[tilespmem:$0x1D400] =	vst v63  }
0x88: {  	_ =	swait.ge [sflag:s21], $0x4000  }
0x89: {  	[sflag:s21] =	ssyncset.done $0x0  }
0x8a: {  	[sflag:s21] =	ssyncadd.s32 $0xFFFFC000  }
0x8b: {  	[tilespmem:s20], [sflag:$0x3] =	stream.linear.gather [spmem:s8], $0x4000, $0x38;
	[tilespmem:$0x1D400] =	vst v63  }
0x8c: {  	_ =	swait.ge [sflag:s21], $0x4000  }
0x8d: {  	[sflag:s21] =	ssyncset.done $0x0  }
0x8e: {  	[sflag:s21] =	ssyncadd.s32 $0xFFFFC000  }
0x8f: {  	[hbm4b:s16+s4] =	stream.linear.scatter [tilespmem:s20], [sflag:$0x3], $0x4000, $0x38;
	[tilespmem:$0x1D400] =	vst v63  }
0x90: {  	_ =	swait.ge [sflag:s21], $0x4000  }
0x91: {  	[sflag:s21] =	ssyncset.done $0x0  }
0x92: {  	[sflag:s21] =	ssyncadd.s32 $0xFFFFC000  }
0x93: {  	[tilespmem:s20], [sflag:$0x3] =	stream.linear.gather [spmem:s9], $0x4000, $0x38;
	[tilespmem:$0x1D400] =	vst v63  }
0x94: {  	s30 =	sadd.s32 $0x1, s30;
	_ =	swait.ge [sflag:s21], $0x4000  }
0x95: {  	p0 =	sne.s32 s30, s18;
	[sflag:s21] =	ssyncset.done $0x0  }
.Ltmp2:
0x96: {  	[sflag:s21] =	ssyncadd.s32 $0xFFFFC000;
	(pc) =	sbr.rel @p0 .LBB2_1-.Ltmp2, $4  }
0x97: {  	[hbm4b:s17+s4] =	stream.linear.scatter [tilespmem:s20], [sflag:$0x3], $0x4000, $0x38;
	[tilespmem:$0x1D400] =	vst v63  }
0x98: {  	_ =	swait.ge [sflag:s21], $0x4000  }
0x99: {  	[sflag:s21] =	ssyncset.done $0x0  }
0x9a: {  	[sflag:s21] =	ssyncadd.s32 $0xFFFFC000  }
0x9b: {  	_ =	sfence.sel $0x180000  }
0x9c: {  	[bflag:$0x0] =	sbarrier.arrive $0xFFFF  }
0x9d: {  	_ =	strace $0x9000004A  }
0x9e: {  	s0 =	stileid.u32;
	[bflag:$0x2] =	sbarrier.arrive $0xFFFF  }
0x9f: {  	p0 =	sne.s32 s0, $0x0;
	s0 =	rddreg [dreg:$0x3]  }
0xa0: {  	s0 =	sadd.s32 @!p0 $0x100000, s0  }
0xa1: {  	[sflag:s0] =	ssyncadd.tile.s32 @!p0 $0x1;
	_ =	shalt  }
.Lfunc_end2:
_tile_overlayer_lowered:
.L_overlay_start_2:
0xa2: {  	(tag) =	ssettag $0x2  }
0xa3: {  	s0 =	rddreg [dreg:$0x0];
	s2 =	stileid.u32  }
0xa4: {  	s1 =	rddreg [dreg:$0x1];
	p0 =	sne.s32 s2, $0x0  }
0xa5: {  	s3 =	rddreg [dreg:$0x2];
	[bflag:$0x3] =	sbarrier.arrive $0xFFFF;
	s2 =	simm.s32 @!p0 $0x1C03  }
0xa6: {  	[timem:s3], [sflag:s2] =	dma.local @!p0 [hbm:s0], s1  }
0xa7: {  	s0 =	simm.s32 @!p0 $0x3  }
0xa8: {  	_ =	swait.ge @!p0 [sflag:s0], s1  }
0xa9: {  	s1 =	ssub.s32 @!p0 $0x0, s1;
	[sflag:s0] =	ssyncset.done @!p0 $0x0  }
0xaa: {  	[sflag:s0] =	ssyncadd.s32 @!p0 s1  }
0xab: {  	[bflag:$0x3] =	sbarrier.arrive $0xFFFF  }
0xac: {  	_ =	shalt  }

// kernel: kernel.8.cloned.1.call-start
scs
__scs_entry_jumppad:
0x0: {  	(pc) =	sbr.rel $0x88, $3  }
0x1: {  	(tag) =	ssettag $0x0;
	lr =	simm.s32 $0x1  }
0x2: {  	[smem:$0x3F8B] =	sst lr;
	_ =	strace $0xD0000000  }
0x3: {  	_ = 	snop  }
0x4: {  	_ = 	snop  }
0x5: {  	_ = 	snop  }
0x6: {  	_ = 	snop  }
0x7: {  	_ = 	snop  }
__scs_overlays_trampoline_lowered:
0x8: {  	[smem:$0x3F9A] =	sst s0  }
0x9: {  	[smem:$0x3F9B] =	sst s1  }
0xa: {  	[smem:$0x3F9C] =	sst s2  }
0xb: {  	[smem:$0x3F9D] =	sst s3  }
0xc: {  	[smem:$0x3F9E] =	sst s4  }
0xd: {  	[smem:$0x3F9F] =	sst s5  }
0xe: {  	[smem:$0x3FA0] =	sst s6  }
0xf: {  	[smem:$0x3FA1] =	sst s7  }
0x10: {  	[smem:$0x3FA2] =	sst s8  }
0x11: {  	[smem:$0x3FA3] =	sst s9;
	s0 =	simm.s32 @!p0 $0x0  }
0x12: {  	s1 =	sld [smem:$0x3F89];
	s0 =	simm.s32 @p0 $0x1  }
0x13: {  	[smem:$0x3FA4] =	sst s0;
	s0 =	simm.s32 @!p1 $0x0  }
0x14: {  	s2 =	sld [smem:$0x3F88];
	s0 =	simm.s32 @p1 $0x1  }
0x15: {  	[smem:$0x3FA5] =	sst s0;
	s0 =	simm.s32 @!p2 $0x0  }
0x16: {  	s3 =	sld [smem:$0x3FDB];
	s0 =	simm.s32 @p2 $0x1  }
0x17: {  	s4 =	simm.s32 $0x1BF5;
	[smem:$0x3FA7] =	sst s0  }
0x18: {  	s0 =	sld [smem:$0x3F8A];
	_ =	swait.ge [sflag:s4], $0x0  }
0x19: {  	s7 =	sld [smem:$0x3F8B]  }
0x1a: {  	s8 =	sadd.s32 $0xFFFFE003, lr  }
0x1b: {  	s9 =	sadd.s32 $0xFFFFFEF7, lr;
	s5 =	simm.s32 $0xFFFFFFFF;
	p2 =	slt.u32 s8, $0xFFFFF086  }
0x1c: {  	p1 =	slt.u32 s9, $0xF7A;
	s5 =	simm.s32 @!p2 $0x0  }
0x1d: {  	s5 =	simm.s32 @p1 $0x1;
	p0 =	seq.s32 s7, s2  }
0x1e: {  	s7 =	smul.u32 @!p0 $0xF7A, s2;
	p2 =	seq.s32 @!p0 s5, $0x0  }
0x1f: {  	s9 =	smul.u32 $0xF7A, s1;
	s8 =	simm.s32 @!p0 $0x1BF5;
	p2 =	por !p2, p0  }
0x20: {  	[sflag:s8] =	ssyncset.s32 @!p0 $0xFFFFF086;
	s6 =	sadd.s32 @!p0 s3, s7;
	s7 =	simm.s32 @!p0 $0x108  }
0x21: {  	s3 =	sadd.s32 s3, s9;
	s6 =	sadd.s32 @!p0 $0x88, s6;
	s7 =	simm.s32 @p2 $0x1082  }
0x22: {  	[simem:s7], [sflag:s8] =	dma.local @!p0 [hbm:s6], $0xF7A  }
0x23: {  	s9 =	sor.u32 $0xD0000000, s2;
	s6 =	simm.s32 $0x108;
	_ =	swait.ge @!p0 [sflag:s8], $0x0  }
0x24: {  	s3 =	sadd.s32 $0x88, s3;
	s6 =	simm.s32 @!p1 $0x1082;
	[sflag:s4] =	ssyncset.s32 $0xFFFFF086  }
0x25: {  	[simem:s6], [sflag:s4] =	dma.local [hbm:s3], $0xF7A  }
0x26: {  	[smem:$0x3F8B] =	sst s1;
	(tag) =	ssettag s2;
	_ =	strace s9  }
0x27: {  	s1 =	sld [smem:$0x3F9B]  }
0x28: {  	s2 =	sld [smem:$0x3F9C]  }
0x29: {  	s4 =	sld [smem:$0x3F9E]  }
0x2a: {  	p0 =	seq.s32 s5, $0x0;
	s5 =	sld [smem:$0x3F9F]  }
0x2b: {  	s6 =	sld [smem:$0x3FA0]  }
0x2c: {  	s7 =	sld [smem:$0x3FA1]  }
0x2d: {  	s3 =	simm.s32 $0x108;
	s8 =	sld [smem:$0x3FA2]  }
0x2e: {  	s3 =	simm.s32 @!p0 $0x1082;
	s9 =	sld [smem:$0x3FA3]  }
0x2f: {  	lr =	sadd.s32 s0, s3;
	s0 =	sld [smem:$0x3F9A]  }
0x30: {  	s3 =	sld [smem:$0x3F9D]  }
0x31: {  	[smem:$0x3FA6] =	sst s10  }
0x32: {  	s10 =	sld [smem:$0x3FA4];
	_ =	sdelay $0x3  }
0x33: {  	p0 =	seq.s32 s10, $0x1;
	s10 =	sld [smem:$0x3FA6];
	_ =	sdelay $0x3  }
0x34: {  	[smem:$0x3FA6] =	sst s10  }
0x35: {  	s10 =	sld [smem:$0x3FA5];
	_ =	sdelay $0x3  }
0x36: {  	p1 =	seq.s32 s10, $0x1;
	s10 =	sld [smem:$0x3FA6];
	_ =	sdelay $0x3  }
0x37: {  	[smem:$0x3FA6] =	sst s10  }
0x38: {  	s10 =	sld [smem:$0x3FA7]  }
0x39: {  	_ = 	snop;
	(pc) =	sbr.ind lr, $3  }
0x3a: {  	_ = 	snop  }
0x3b: {  	_ = 	snop  }
0x3c: {  	p2 =	seq.s32 s10, $0x1;
	s10 =	sld [smem:$0x3FA6]  }
0x3d: {  	_ =	shalt  }
0x3e: {  	_ =	shalt  }
0x3f: {  	_ =	shalt  }
0x40: {  	_ =	shalt  }
0x41: {  	_ =	shalt  }
0x42: {  	_ =	shalt  }
0x43: {  	_ =	shalt  }
0x44: {  	_ =	shalt  }
0x45: {  	_ =	shalt  }
0x46: {  	_ =	shalt  }
0x47: {  	_ =	shalt  }
0x48: {  	_ =	shalt  }
0x49: {  	_ =	shalt  }
0x4a: {  	_ =	shalt  }
0x4b: {  	_ =	shalt  }
0x4c: {  	_ =	shalt  }
0x4d: {  	_ =	shalt  }
0x4e: {  	_ =	shalt  }
0x4f: {  	_ =	shalt  }
0x50: {  	_ =	shalt  }
0x51: {  	_ =	shalt  }
0x52: {  	_ =	shalt  }
0x53: {  	_ =	shalt  }
0x54: {  	_ =	shalt  }
0x55: {  	_ =	shalt  }
0x56: {  	_ =	shalt  }
0x57: {  	_ =	shalt  }
0x58: {  	_ =	shalt  }
0x59: {  	_ =	shalt  }
0x5a: {  	_ =	shalt  }
0x5b: {  	_ =	shalt  }
0x5c: {  	_ =	shalt  }
0x5d: {  	_ =	shalt  }
0x5e: {  	_ =	shalt  }
0x5f: {  	_ =	shalt  }
0x60: {  	_ =	shalt  }
0x61: {  	_ =	shalt  }
0x62: {  	_ =	shalt  }
0x63: {  	_ =	shalt  }
0x64: {  	_ =	shalt  }
0x65: {  	_ =	shalt  }
0x66: {  	_ =	shalt  }
0x67: {  	_ =	shalt  }
0x68: {  	_ =	shalt  }
0x69: {  	_ =	shalt  }
0x6a: {  	_ =	shalt  }
0x6b: {  	_ =	shalt  }
0x6c: {  	_ =	shalt  }
0x6d: {  	_ =	shalt  }
0x6e: {  	_ =	shalt  }
0x6f: {  	_ =	shalt  }
0x70: {  	_ =	shalt  }
0x71: {  	_ =	shalt  }
0x72: {  	_ =	shalt  }
0x73: {  	_ =	shalt  }
0x74: {  	_ =	shalt  }
0x75: {  	_ =	shalt  }
0x76: {  	_ =	shalt  }
0x77: {  	_ =	shalt  }
0x78: {  	_ =	shalt  }
0x79: {  	_ =	shalt  }
0x7a: {  	_ =	shalt  }
0x7b: {  	_ =	shalt  }
0x7c: {  	_ =	shalt  }
0x7d: {  	_ =	shalt  }
0x7e: {  	_ =	shalt  }
0x7f: {  	_ =	shalt  }
0x80: {  	_ =	shalt  }
0x81: {  	_ =	shalt  }
0x82: {  	_ =	shalt  }
0x83: {  	_ =	shalt  }
0x84: {  	_ =	shalt  }
0x85: {  	_ =	shalt  }
0x86: {  	_ =	shalt  }
0x87: {  	_ =	shalt  }
.Lfunc_end0:
.L_simem_size_0:
called_computation_lowered:
.L_overlay_start_0:
0x88: {  	s2 =	sld [smem:$0x3FD9]  }
0x89: {  	s3 =	sld [smem:$0x3FFE];
	_ =	sdelay $0x1  }
0x8a: {  	s1 =	srdreg.scid  }
0x8b: {  	s0 =	sand.u32 $0x1, s1  }
0x8c: {  	s14 =	sshll.u32 s0, $0xA;
	s2 =	sadd.s32 s3, s2  }
0x8d: {  	s2 =	sadd.s32 s2, s14  }
0x8e: {  	[smem:$0x3FB2] =	sst s2  }
0x8f: {  	_ = 	snop  }
0x90: {  	s2 =	sld [smem:$0x3FD0];
	_ =	sdelay $0x2  }
0x91: {  	s15 =	simm.s32 $0xA;
	s4 =	simm.s32 $0x10  }
0x92: {  	[smem:s4], [sflag:s15] =	dma.local [hbm:s2], $0x1  }
0x93: {  	_ =	swait.eq [sflag:s15], $0x1  }
0x94: {  	[sflag:s15] =	ssyncset.done $0x0  }
0x95: {  	[sflag:s15] =	ssyncadd.s32 $0xFFFFFFFF  }
0x96: {  	s16 =	sld [smem:$0x11];
	(tm) =	ssettm $0x1  }
0x97: {  	s17 =	sld [smem:$0x3FFB];
	_ =	sdelay $0x3  }
0x98: {  	_ =	strace s17  }
0x99: {  	s3 =	sld [smem:$0x3FFC];
	_ =	sdelay $0x3  }
0x9a: {  	_ =	strace s3  }
0x9b: {  	s3 =	sld [smem:$0x3FFD];
	_ =	sdelay $0x3  }
0x9c: {  	_ =	strace s3  }
0x9d: {  	_ =	strace $0x8FFFFFFF  }
0x9e: {  	s18 =	sld [smem:$0x3FDB];
	_ =	sdelay $0x1  }
0x9f: {  	s19 =	simm.s32 $_scs_section_size  }
0xa0: {  	s5 =	simm.s32 $_size__tile_overlayer_lowered;
	s6 =	simm.s32 $_tile_overlayer_lowered  }
0xa1: {  	s22 =	simm.s32 $0x1BFF;
	s21 =	sshll.u32 s6, $0x1;
	s3 =	sadd.s32 s19, s18  }
0xa2: {  	s7 =	simm.s32 $0x0;
	s20 =	sshll.u32 s5, $0x1;
	s5 =	sadd.s32 s21, s3  }
0xa3: {  	[timem:s7], [sflag:s22] =	dma.local [hbm:s5], s20  }
0xa4: {  	_ =	swait.ge [sflag:s22], s20  }
0xa5: {  	s4 =	ssub.s32 $0x0, s20;
	[sflag:s22] =	ssyncset.done $0x0  }
0xa6: {  	[sflag:s22] =	ssyncadd.s32 s4;
	_ =	sdelay $0x1  }
0xa7: {  	s23 =	simm.s32 $0x1B8B  }
0xa8: {  	_ =	swait.ge [sflag:s23], $0x1  }
0xa9: {  	[sflag:s23] =	ssyncset.done $0x0  }
0xaa: {  	s25 =	simm.s32 $0x1B8E;
	s24 =	sld [smem:$0x3FFE];
	[sflag:s23] =	ssyncadd.s32 $0xFFFFFFFF  }
0xab: {  	s26 =	simm.s32 $execute0_lowered;
	[smem:$0x3FD2] =	sst s25  }
0xac: {  	s5 =	sshll.u32 s26, $0x1;
	_ =	strace $0x80000046;
	[dreg:$0x1] =	wrdreg $0xFFFFFFFF  }
0xad: {  	s28 =	simm.s32 $_size_execute0_lowered;
	s3 =	sadd.s32 s3, s5;
	[dreg:$0x0] =	wrdreg $0x0  }
0xae: {  	s5 =	sshll.u32 s28, $0x1;
	[dreg:$0x2] =	wrdreg s3  }
0xaf: {  	[dreg:$0x3] =	wrdreg s5  }
0xb0: {  	[dreg:$0x4] =	wrdreg $0xC0  }
0xb1: {  	_ =	task [dreg:s7], $0x5FFFF  }
0xb2: {  	[dreg:$0x1] =	wrdreg $0xFFFFFFFF  }
0xb3: {  	[dreg:$0x0] =	wrdreg $0x60  }
0xb4: {  	[dreg:$0x2] =	wrdreg s16  }
0xb5: {  	[dreg:$0x3] =	wrdreg s24  }
0xb6: {  	[dreg:$0x4] =	wrdreg $0x9  }
0xb7: {  	_ =	task.clear_ibuf [dreg:s7], $0x5FFFF;
	_ =	strace $0x90000046  }
0xb8: {  	s29 =	simm.s32 $0x9;
	_ =	strace $0x80000048  }
0xb9: {  	_ =	swait.ge [sflag:s29], $0x1  }
0xba: {  	[sflag:s29] =	ssyncadd.s32 $0xFFFFFFFF  }
0xbb: {  	_ =	strace $0x90000048  }
0xbc: {  	_ =	sfence  }
0xbd: {  	s30 =	sld [smem:$0x0];
	_ =	sdelay $0x2  }
0xbe: {  	s31 =	sshll.u32 s1, $0xD;
	s1 =	sshrl.u32 s1, $0x2  }
0xbf: {  	s3 =	sand.u32 $0x4000, s31;
	s1 =	sadd.s32 s1, s30  }
0xc0: {  	s0 =	sor.u32 s3, s0;
	s1 =	sshll.u32 s1, $0x11  }
0xc1: {  	s0 =	sor.u32 s1, s0  }
0xc2: {  	s0 =	sadd.s32 $0x8F2B, s0  }
0xc3: {  	[sflag:s0] =	ssyncadd.remote.s32 $0x1  }
0xc4: {  	_ =	sfence.sel $0xFFFF  }
0xc5: {  	[dreg:$0x0] =	wrdreg $0xFFFFFFFF;
	(pc) =	sbr.abs _section_cstart, $3  }
0xc6: {  	[dreg:$0x1] =	wrdreg $0xFFFFFFFF  }
0xc7: {  	_ =	task.clear_ibuf [dreg:s7], $0x2FFFF;
	_ =	strace $0x9FFFFFFF  }
0xc8: {  	(tm) =	ssettm $0x7FFFFFFF  }
0xc9: {  	_ =	shalt  }
tec
execute0_lowered:
.L_overlay_start_1:
0x0: {  	(tag) =	ssettag $0x1  }
0x1: {  	s2 =	rddreg [dreg:$0x0]  }
0x2: {  	s1 =	srdreg.scid;
	s0 =	stileid.u32  }
0x3: {  	s6 =	rddreg [dreg:$0x1];
	s3 =	simm.s32 $0x0;
	s16 =	simm.s32 $0x1400  }
0x4: {  	s17 =	simm.s32 $0x80;
	s18 =	simm.s32 $0x2800;
	s19 =	simm.s32 $0x6800  }
0x5: {  	s20 =	simm.s32 $0xA800;
	s21 =	simm.s32 $0x1480;
	s22 =	simm.s32 $0xE800  }
0x6: {  	s23 =	simm.s32 $0x1;
	s24 =	simm.s32 $0x2;
	s25 =	simm.s32 $0x0  }
0x7: {  	s10 =	sand.u32 $0x1, s1;
	s4 =	sshll.u32 s0, $0x1;
	s1 =	rddreg [dreg:$0x2]  }
0x8: {  	[smem:$0x7FF] =	sst s3;
	s14 =	smul.u32 $0x50, s0;
	s7 =	sor.u32 s10, s4  }
0x9: {  	_ =	strace $0x80000047;
	s9 =	ssub.s32 $0x2, s10;
	s15 =	smul.u32 $0x28, s10  }
0xa: {  	s4 =	sadd.s32 $0x15E00, s6;
	s5 =	smul.u32 $0x280, s7;
	s11 =	sshrl.u32 s9, $0x1  }
0xb: {  	s12 =	smul.u32 $0x28, s7;
	s9 =	ssub.s32 s9, s11;
	s14 =	sadd.s32 s15, s14  }
0xc: {  	s15 =	simm.s32 $0x3;
	s8 =	sadd.s32 s5, s6;
	s5 =	sadd.s32 $0x3D200, s6  }
0xd: {  	s6 =	sadd.s32 $0x2AE200, s6;
	s9 =	smax.u32 s9, $0x1;
	s31 =	smin.u32 s12, $0x4BB  }
0xe: {  	s12 =	smin.u32 s12, $0x4BA;
	s14 =	sor.u32 $0x1, s14;
	s11 =	sshll.u32 s31, $0xB  }
0xf: {  	s7 =	sadd.s32 $0x6E00, s8;
	s12 =	sshll.u32 s12, $0xB;
	s11 =	sadd.s32 $0x13000, s11  }
0x10: {  	s8 =	sadd.s32 $0xBE00, s8;
	s13 =	sadd.s32 $0x13800, s12;
	s10 =	sadd.s32 s5, s11  }
0x11: {  	s11 =	sadd.s32 s6, s11;
	s12 =	sadd.s32 s5, s13;
	s13 =	sadd.s32 s6, s13  }
.LBB2_1:
0x12: {  	[tilespmem:s3], [sflag:$0x3] =	stream.linear.gather [hbm4b:s7+s3], $0x1400, $0x38;
	[tilespmem:$0x12800] =	vst v63  }
0x13: {  	_ =	swait.ge [sflag:s15], $0x1400  }
0x14: {  	[sflag:s15] =	ssyncset.done $0x0  }
0x15: {  	[sflag:s15] =	ssyncadd.s32 $0xFFFFEC00  }
0x16: {  	[tilespmem:s16], [sflag:$0x3] =	stream.linear.gather [hbm4b:s8+s3], $0x1400, $0x38;
	[tilespmem:$0x12800] =	vst v63  }
0x17: {  	_ =	swait.ge [sflag:s15], $0x1400  }
0x18: {  	[sflag:s15] =	ssyncset.done $0x0  }
0x19: {  	[sflag:s15] =	ssyncadd.s32 $0xFFFFEC00  }
0x1a: {  	[tilespmem:s18], [sflag:$0x1] =	stream.indirect.gather [hbm4b:s2+s17], $0x80, s3, s17, $0xb8;
	[tilespmem:$0x12800] =	vst v63  }
0x1b: {  	_ = 	snop  }
0x1c: {  	[tilespmem:s19], [sflag:$0x1] =	stream.indirect.gather [hbm4b:s4+s17], $0x80, s16, s17, $0xb8;
	[tilespmem:$0x12800] =	vst v63  }
0x1d: {  	_ = 	snop  }
0x1e: {  	[tilespmem:s20], [sflag:$0x2] =	stream.indirect.gather [hbm4b:s2+s17], $0x80, s17, s17, $0xb8;
	[tilespmem:$0x12800] =	vst v63  }
0x1f: {  	_ = 	snop  }
0x20: {  	[tilespmem:s22], [sflag:$0x2] =	stream.indirect.gather [hbm4b:s4+s17], $0x80, s21, s17, $0xb8;
	[tilespmem:$0x12800] =	vst v63  }
0x21: {  	_ =	swait.ge [sflag:s23], $0x4000  }
0x22: {  	s26 =	sadd.s32 $0xFFFFFFFF, s14;
	[sflag:s23] =	ssyncset.done $0x0  }
0x23: {  	p0 =	slt.s32 s26, $0x4E1;
	[sflag:s23] =	ssyncadd.s32 $0xFFFFC000  }
0x24: {  	s26 =	simm.s32 @!p0 $0x4E1;
	_ =	swait.ge [sflag:s23], $0x4000  }
0x25: {  	s26 =	sshll.u32 s26, $0xB;
	[sflag:s23] =	ssyncset.done $0x0  }
0x26: {  	s28 =	sadd.s32 s5, s26;
	[sflag:s23] =	ssyncadd.s32 $0xFFFFC000  }
0x27: {  	[hbm4b:s28+s3] =	stream.linear.scatter [tilespmem:s18], [sflag:$0x3], $0x4000, $0x38;
	[tilespmem:$0x12800] =	vst v63  }
0x28: {  	_ =	swait.ge [sflag:s15], $0x4000  }
0x29: {  	[sflag:s15] =	ssyncset.done $0x0  }
0x2a: {  	s26 =	sadd.s32 s6, s26;
	[sflag:s15] =	ssyncadd.s32 $0xFFFFC000  }
0x2b: {  	[hbm4b:s26+s3] =	stream.linear.scatter [tilespmem:s19], [sflag:$0x3], $0x4000, $0x38;
	[tilespmem:$0x12800] =	vst v63  }
0x2c: {  	_ =	swait.ge [sflag:s15], $0x4000  }
0x2d: {  	[sflag:s15] =	ssyncset.done $0x0  }
0x2e: {  	s31 =	simm.s32 $0x100;
	[sflag:s15] =	ssyncadd.s32 $0xFFFFC000  }
0x2f: {  	[tilespmem:s18], [sflag:$0x1] =	stream.indirect.gather [hbm4b:s2+s17], $0x80, s31, s17, $0xb8;
	[tilespmem:$0x12800] =	vst v63  }
0x30: {  	s30 =	simm.s32 $0x1500  }
0x31: {  	[tilespmem:s19], [sflag:$0x1] =	stream.indirect.gather [hbm4b:s4+s17], $0x80, s30, s17, $0xb8;
	[tilespmem:$0x12800] =	vst v63  }
0x32: {  	_ =	swait.ge [sflag:s24], $0x4000  }
0x33: {  	[sflag:s24] =	ssyncset.done $0x0  }
0x34: {  	p0 =	slt.s32 s14, $0x4E1;
	s26 =	smov.u32 s14;
	[sflag:s24] =	ssyncadd.s32 $0xFFFFC000  }
0x35: {  	s26 =	simm.s32 @!p0 $0x4E1;
	_ =	swait.ge [sflag:s24], $0x4000  }
0x36: {  	s26 =	sshll.u32 s26, $0xB;
	[sflag:s24] =	ssyncset.done $0x0  }
0x37: {  	s28 =	sadd.s32 s5, s26;
	[sflag:s24] =	ssyncadd.s32 $0xFFFFC000  }
0x38: {  	[hbm4b:s28+s3] =	stream.linear.scatter [tilespmem:s20], [sflag:$0x3], $0x4000, $0x38;
	[tilespmem:$0x12800] =	vst v63  }
0x39: {  	_ =	swait.ge [sflag:s15], $0x4000  }
0x3a: {  	[sflag:s15] =	ssyncset.done $0x0  }
0x3b: {  	s26 =	sadd.s32 s6, s26;
	[sflag:s15] =	ssyncadd.s32 $0xFFFFC000  }
0x3c: {  	[hbm4b:s26+s3] =	stream.linear.scatter [tilespmem:s22], [sflag:$0x3], $0x4000, $0x38;
	[tilespmem:$0x12800] =	vst v63  }
0x3d: {  	_ =	swait.ge [sflag:s15], $0x4000  }
0x3e: {  	s29 =	simm.s32 $0x1580;
	s31 =	simm.s32 $0x180;
	[sflag:s15] =	ssyncset.done $0x0  }
0x3f: {  	s28 =	sadd.s32 $0x2, s14;
	s26 =	simm.s32 $0x400;
	[sflag:s15] =	ssyncadd.s32 $0xFFFFC000  }
0x40: {  	[tilespmem:s20], [sflag:$0x2] =	stream.indirect.gather [hbm4b:s2+s17], $0x80, s31, s17, $0xb8;
	[tilespmem:$0x12800] =	vst v63  }
.LBB2_2:
0x41: {  	[tilespmem:s22], [sflag:$0x2] =	stream.indirect.gather [hbm4b:s4+s17], $0x80, s29, s17, $0xb8;
	[tilespmem:$0x12800] =	vst v63  }
0x42: {  	s29 =	smov.u32 s26  }
0x43: {  	p0 =	sne.s32 s26, $0x4800;
	s26 =	sadd.s32 $0x400, s26;
	_ =	swait.ge [sflag:s23], $0x4000  }
0x44: {  	s30 =	sadd.s32 $0xFFFFFFFF, s28;
	[sflag:s23] =	ssyncset.done $0x0  }
0x45: {  	p1 =	slt.s32 s30, $0x4E1;
	[sflag:s23] =	ssyncadd.s32 $0xFFFFC000  }
0x46: {  	s30 =	simm.s32 @!p1 $0x4E1;
	_ =	swait.ge [sflag:s23], $0x4000  }
0x47: {  	s30 =	sshll.u32 s30, $0xB;
	[sflag:s23] =	ssyncset.done $0x0  }
0x48: {  	s31 =	sadd.s32 s5, s30;
	[sflag:s23] =	ssyncadd.s32 $0xFFFFC000  }
0x49: {  	[hbm4b:s31+s3] =	stream.linear.scatter [tilespmem:s18], [sflag:$0x3], $0x4000, $0x38;
	[tilespmem:$0x12800] =	vst v63  }
0x4a: {  	_ =	swait.ge [sflag:s15], $0x4000  }
0x4b: {  	[sflag:s15] =	ssyncset.done $0x0  }
0x4c: {  	s30 =	sadd.s32 s6, s30;
	[sflag:s15] =	ssyncadd.s32 $0xFFFFC000  }
0x4d: {  	[hbm4b:s30+s3] =	stream.linear.scatter [tilespmem:s19], [sflag:$0x3], $0x4000, $0x38;
	[tilespmem:$0x12800] =	vst v63  }
0x4e: {  	_ =	swait.ge [sflag:s15], $0x4000  }
0x4f: {  	s29 =	sshra.s32 s29, $0x2;
	[sflag:s15] =	ssyncset.done $0x0  }
0x50: {  	s30 =	sadd.s32 $0x100, s29;
	[sflag:s15] =	ssyncadd.s32 $0xFFFFC000  }
0x51: {  	[tilespmem:s18], [sflag:$0x1] =	stream.indirect.gather [hbm4b:s2+s17], $0x80, s30, s17, $0xb8;
	[tilespmem:$0x12800] =	vst v63  }
0x52: {  	s30 =	sadd.s32 $0x1500, s29  }
0x53: {  	[tilespmem:s19], [sflag:$0x1] =	stream.indirect.gather [hbm4b:s4+s17], $0x80, s30, s17, $0xb8;
	[tilespmem:$0x12800] =	vst v63  }
0x54: {  	_ =	swait.ge [sflag:s24], $0x4000  }
0x55: {  	[sflag:s24] =	ssyncset.done $0x0  }
0x56: {  	p1 =	slt.s32 s28, $0x4E1;
	s30 =	smov.u32 s28;
	[sflag:s24] =	ssyncadd.s32 $0xFFFFC000  }
0x57: {  	s30 =	simm.s32 @!p1 $0x4E1;
	_ =	swait.ge [sflag:s24], $0x4000  }
0x58: {  	s30 =	sshll.u32 s30, $0xB;
	[sflag:s24] =	ssyncset.done $0x0  }
0x59: {  	s31 =	sadd.s32 s5, s30;
	[sflag:s24] =	ssyncadd.s32 $0xFFFFC000  }
0x5a: {  	[hbm4b:s31+s3] =	stream.linear.scatter [tilespmem:s20], [sflag:$0x3], $0x4000, $0x38;
	[tilespmem:$0x12800] =	vst v63  }
0x5b: {  	_ =	swait.ge [sflag:s15], $0x4000  }
0x5c: {  	[sflag:s15] =	ssyncset.done $0x0  }
0x5d: {  	s30 =	sadd.s32 s6, s30;
	[sflag:s15] =	ssyncadd.s32 $0xFFFFC000  }
0x5e: {  	[hbm4b:s30+s3] =	stream.linear.scatter [tilespmem:s22], [sflag:$0x3], $0x4000, $0x38;
	[tilespmem:$0x12800] =	vst v63  }
.Ltmp0:
0x5f: {  	_ =	swait.ge [sflag:s15], $0x4000;
	(pc) =	sbr.rel @p0 .LBB2_2-.Ltmp0, $4  }
0x60: {  	[sflag:s15] =	ssyncset.done $0x0  }
0x61: {  	s30 =	sadd.s32 $0x180, s29;
	[sflag:s15] =	ssyncadd.s32 $0xFFFFC000  }
0x62: {  	[tilespmem:s20], [sflag:$0x2] =	stream.indirect.gather [hbm4b:s2+s17], $0x80, s30, s17, $0xb8;
	[tilespmem:$0x12800] =	vst v63  }
0x63: {  	s28 =	sadd.s32 $0x2, s28;
	s29 =	sadd.s32 $0x1580, s29  }
0x64: {  	[tilespmem:s22], [sflag:$0x2] =	stream.indirect.gather [hbm4b:s4+s17], $0x80, s29, s17, $0xb8;
	[tilespmem:$0x12800] =	vst v63  }
0x65: {  	_ =	swait.ge [sflag:s23], $0x4000  }
0x66: {  	[sflag:s23] =	ssyncset.done $0x0  }
0x67: {  	[sflag:s23] =	ssyncadd.s32 $0xFFFFC000  }
0x68: {  	_ =	swait.ge [sflag:s23], $0x4000  }
0x69: {  	[sflag:s23] =	ssyncset.done $0x0  }
0x6a: {  	[sflag:s23] =	ssyncadd.s32 $0xFFFFC000  }
0x6b: {  	[hbm4b:s10+s3] =	stream.linear.scatter [tilespmem:s18], [sflag:$0x3], $0x4000, $0x38;
	[tilespmem:$0x12800] =	vst v63  }
0x6c: {  	_ =	swait.ge [sflag:s15], $0x4000  }
0x6d: {  	[sflag:s15] =	ssyncset.done $0x0  }
0x6e: {  	[sflag:s15] =	ssyncadd.s32 $0xFFFFC000  }
0x6f: {  	[hbm4b:s11+s3] =	stream.linear.scatter [tilespmem:s19], [sflag:$0x3], $0x4000, $0x38;
	[tilespmem:$0x12800] =	vst v63  }
0x70: {  	_ =	swait.ge [sflag:s15], $0x4000  }
0x71: {  	[sflag:s15] =	ssyncset.done $0x0  }
0x72: {  	[sflag:s15] =	ssyncadd.s32 $0xFFFFC000  }
0x73: {  	_ =	swait.ge [sflag:s24], $0x4000  }
0x74: {  	[sflag:s24] =	ssyncset.done $0x0  }
0x75: {  	[sflag:s24] =	ssyncadd.s32 $0xFFFFC000  }
0x76: {  	_ =	swait.ge [sflag:s24], $0x4000  }
0x77: {  	[sflag:s24] =	ssyncset.done $0x0  }
0x78: {  	[sflag:s24] =	ssyncadd.s32 $0xFFFFC000  }
0x79: {  	[hbm4b:s12+s3] =	stream.linear.scatter [tilespmem:s20], [sflag:$0x3], $0x4000, $0x38;
	[tilespmem:$0x12800] =	vst v63  }
0x7a: {  	s25 =	sadd.s32 $0x1, s25;
	_ =	swait.ge [sflag:s15], $0x4000  }
0x7b: {  	p0 =	sne.s32 s25, s9;
	[sflag:s15] =	ssyncset.done $0x0  }
.Ltmp1:
0x7c: {  	[sflag:s15] =	ssyncadd.s32 $0xFFFFC000;
	(pc) =	sbr.rel @p0 .LBB2_1-.Ltmp1, $4  }
0x7d: {  	[hbm4b:s13+s3] =	stream.linear.scatter [tilespmem:s22], [sflag:$0x3], $0x4000, $0x38;
	[tilespmem:$0x12800] =	vst v63  }
0x7e: {  	_ =	swait.ge [sflag:s15], $0x4000  }
0x7f: {  	[sflag:s15] =	ssyncset.done $0x0  }
0x80: {  	[sflag:s15] =	ssyncadd.s32 $0xFFFFC000  }
0x81: {  	_ =	sfence.sel $0x180000  }
0x82: {  	[bflag:$0x0] =	sbarrier.arrive $0xFFFF  }
0x83: {  	p0 =	sne.s32 s0, $0x0;
	_ =	strace $0x90000047  }
0x84: {  	s0 =	sadd.s32 @!p0 $0x100000, s1;
	[bflag:$0x2] =	sbarrier.arrive $0xFFFF  }
0x85: {  	[sflag:s0] =	ssyncadd.tile.s32 @!p0 $0x1;
	_ =	shalt  }
.Lfunc_end2:
_tile_overlayer_lowered:
.L_overlay_start_2:
0x86: {  	(tag) =	ssettag $0x2  }
0x87: {  	s0 =	rddreg [dreg:$0x0];
	s2 =	stileid.u32  }
0x88: {  	s1 =	rddreg [dreg:$0x1];
	p0 =	sne.s32 s2, $0x0  }
0x89: {  	s3 =	rddreg [dreg:$0x2];
	[bflag:$0x3] =	sbarrier.arrive $0xFFFF;
	s2 =	simm.s32 @!p0 $0x1C03  }
0x8a: {  	[timem:s3], [sflag:s2] =	dma.local @!p0 [hbm:s0], s1  }
0x8b: {  	s0 =	simm.s32 @!p0 $0x3  }
0x8c: {  	_ =	swait.ge @!p0 [sflag:s0], s1  }
0x8d: {  	s1 =	ssub.s32 @!p0 $0x0, s1;
	[sflag:s0] =	ssyncset.done @!p0 $0x0  }
0x8e: {  	[sflag:s0] =	ssyncadd.s32 @!p0 s1  }
0x8f: {  	[bflag:$0x3] =	sbarrier.arrive $0xFFFF  }
0x90: {  	_ =	shalt  }

</sc_bundles>
